<compile_context>
chip_gen: v7x
topology: tpu7x:2x2x1
jax: 0.10.2.dev20260603
libtpu: 0.0.44.dev20260713+nightly
codegen_flags: <defaults>
</compile_context>

<pallas_src>
import functools

import jax
import jax.numpy as jnp
from jax import lax
from jax.experimental import pallas as pl
from jax.experimental.pallas import tpu as pltpu
from jax.experimental.pallas import tpu_sc as plsc

N_FIELDS = 26
VOCAB = 100000
EMB_DIM = 16
NUM_DIM = 13
BATCH = 16384

VPAD = 100096
TAIL0 = 99968

NUM_WORKERS = 32
N_CHUNKS = 16
CHUNK = BATCH // N_CHUNKS
TASKS_PER_TILE = (N_FIELDS * N_CHUNKS) // NUM_WORKERS

BULK_CHUNKS = 97
TOT_BULK = N_FIELDS * BULK_CHUNKS
BULK_STEPS = (TOT_BULK + NUM_WORKERS - 1) // NUM_WORKERS


def _tail_body(tab_ref, out_ref):
    x = tab_ref[0]
    eye = jnp.eye(EMB_DIM, dtype=jnp.float32)
    y = jax.lax.dot_general(x, eye, (((0,), (0,)), ((), ())),
                            preferred_element_type=jnp.float32)
    y8 = y.reshape(16, 8, EMB_DIM)
    out_ref[...] = jnp.concatenate([y8[:, h, :] for h in range(8)], axis=1)


def _tail(tab_t):
    return pl.pallas_call(
        _tail_body,
        grid=(N_FIELDS,),
        in_specs=[pl.BlockSpec((1, EMB_DIM, 128),
                               lambda f: (f, 0, TAIL0 // 128))],
        out_specs=pl.BlockSpec((16, 128), lambda f: (f, 0)),
        out_shape=jax.ShapeDtypeStruct((N_FIELDS * 16, 128), jnp.float32),
    )(tab_t)


def _reformat_body(tab_hbm, tail_hbm, cats_hbm, ltab_hbm, lcats_hbm,
                   inb0, inb1, outb0, outb1, rowb, tailb,
                   sin0, sin1, sout0, sout1):
    wid = lax.axis_index("s") * 2 + lax.axis_index("c")
    lanes = lax.iota(jnp.int32, 16)

    def chunk_q(t):
        return jnp.minimum(t * NUM_WORKERS + wid, TOT_BULK - 1)

    def start_in(t, ib, sem):
        q = chunk_q(t)
        f = q // BULK_CHUNKS
        col0 = (q % BULK_CHUNKS) * 1024
        pltpu.async_copy(tab_hbm.at[f, :, pl.ds(col0, 1024)], ib, sem)

    def wait_in(sem):
        pltpu.make_async_copy(tab_hbm.at[0, :, pl.ds(0, 1024)], inb0,
                              sem).wait()

    def extract(ib, ob, width):
        @plsc.parallel_loop(0, width, unroll=8,
                            carry=jnp.zeros((16,), jnp.int32))
        def _(v, col):
            x = plsc.load_gather(ib, [lanes, col])
            ob[pl.ds(v * EMB_DIM, EMB_DIM)] = x
            return col + 1

    def start_out(t, ob, sem):
        q = chunk_q(t)
        f = q // BULK_CHUNKS
        col0 = (q % BULK_CHUNKS) * 1024
        dst = (f * VPAD + col0) * EMB_DIM
        pltpu.async_copy(ob, ltab_hbm.at[pl.ds(dst, 1024 * EMB_DIM)], sem)

    def wait_out(sem):
        pltpu.make_async_copy(outb0, ltab_hbm.at[pl.ds(0, 1024 * EMB_DIM)],
                              sem).wait()

    start_in(0, inb0, sin0)

    def phase(t, ib, ob, sin, sout, ib_next, sin_next):
        @pl.when(t + 1 < BULK_STEPS)
        def _():
            start_in(t + 1, ib_next, sin_next)

        wait_in(sin)

        @pl.when(t >= 2)
        def _():
            wait_out(sout)

        extract(ib, ob, 1024)
        start_out(t, ob, sout)

    def body(t, _):
        @pl.when(t % 2 == 0)
        def _():
            phase(t, inb0, outb0, sin0, sout0, inb1, sin1)

        @pl.when(t % 2 == 1)
        def _():
            phase(t, inb1, outb1, sin1, sout1, inb0, sin0)

        return 0

    lax.fori_loop(0, BULK_STEPS, body, 0)
    wait_out(sout0)
    wait_out(sout1)

    @pl.when(wid < N_FIELDS)
    def _():
        f = wid
        w = TAIL0 - BULK_CHUNKS * 1024
        pltpu.async_copy(tab_hbm.at[f, :, pl.ds(BULK_CHUNKS * 1024, w)],
                         inb0.at[:, pl.ds(0, w)], sin0)
        pltpu.make_async_copy(tab_hbm.at[0, :, pl.ds(0, w)],
                              inb0.at[:, pl.ds(0, w)], sin0).wait()
        extract(inb0, outb0, w)
        pltpu.async_copy(outb0.at[pl.ds(0, w * EMB_DIM)],
                         ltab_hbm.at[pl.ds((f * VPAD + BULK_CHUNKS * 1024)
                                           * EMB_DIM, w * EMB_DIM)], sout0)
        pltpu.sync_copy(tail_hbm.at[pl.ds(f * 16, 16)], tailb)

        def trow(v, _):
            x = plsc.load_gather(
                tailb, [jnp.full((16,), v // 8, jnp.int32),
                        (v % 8) * EMB_DIM + lanes])
            outb1[pl.ds(v * EMB_DIM, EMB_DIM)] = x
            return 0

        lax.fori_loop(0, 128, trow, 0, unroll=8)
        pltpu.async_copy(outb1.at[pl.ds(0, 128 * EMB_DIM)],
                         ltab_hbm.at[pl.ds((f * VPAD + TAIL0) * EMB_DIM,
                                           128 * EMB_DIM)], sout1)
        pltpu.sync_copy(cats_hbm.at[f], rowb)

        def add_off(k, _):
            rowb[pl.ds(k * 16, 16)] = rowb[pl.ds(k * 16, 16)] + f * VPAD
            return 0

        lax.fori_loop(0, BATCH // 16, add_off, 0, unroll=8)
        pltpu.sync_copy(rowb, lcats_hbm.at[pl.ds(f * BATCH, BATCH)])
        pltpu.make_async_copy(outb0.at[pl.ds(0, w * EMB_DIM)],
                              ltab_hbm.at[pl.ds(0, w * EMB_DIM)],
                              sout0).wait()
        pltpu.make_async_copy(outb1.at[pl.ds(0, 128 * EMB_DIM)],
                              ltab_hbm.at[pl.ds(0, 128 * EMB_DIM)],
                              sout1).wait()


_reformat = functools.partial(
    pl.kernel,
    out_type=(
        jax.ShapeDtypeStruct((N_FIELDS * VPAD * EMB_DIM,), jnp.float32),
        jax.ShapeDtypeStruct((N_FIELDS * BATCH,), jnp.int32),
    ),
    mesh=plsc.VectorSubcoreMesh(core_axis_name="c", subcore_axis_name="s"),
    scratch_types=[
        pltpu.VMEM((EMB_DIM, 1024), jnp.float32),
        pltpu.VMEM((EMB_DIM, 1024), jnp.float32),
        pltpu.VMEM((1024 * EMB_DIM,), jnp.float32),
        pltpu.VMEM((1024 * EMB_DIM,), jnp.float32),
        pltpu.VMEM((BATCH,), jnp.int32),
        pltpu.VMEM((16, 128), jnp.float32),
        pltpu.SemaphoreType.DMA,
        pltpu.SemaphoreType.DMA,
        pltpu.SemaphoreType.DMA,
        pltpu.SemaphoreType.DMA,
    ],
    compiler_params=pltpu.CompilerParams(needs_layout_passes=False),
)(_reformat_body)


def _gather_body(lcats_hbm, ltab_hbm, out_hbm, idx_v, rows_v, sem):
    wid = lax.axis_index("s") * 2 + lax.axis_index("c")

    def body(t, carry):
        task = wid * TASKS_PER_TILE + t
        f = task // N_CHUNKS
        c = task % N_CHUNKS
        base = c * CHUNK
        pltpu.sync_copy(lcats_hbm.at[pl.ds(f * BATCH + base, CHUNK)], idx_v)
        pltpu.async_copy(ltab_hbm.at[idx_v], rows_v, sem).wait()
        pltpu.sync_copy(rows_v,
                        out_hbm.at[f // 8, pl.ds(base, CHUNK),
                                   pl.ds((f % 8) * EMB_DIM, EMB_DIM)])
        return carry

    lax.fori_loop(0, TASKS_PER_TILE, body, 0)


_gather = functools.partial(
    pl.kernel,
    out_type=jax.ShapeDtypeStruct((4, BATCH, 128), jnp.float32),
    mesh=plsc.VectorSubcoreMesh(core_axis_name="c", subcore_axis_name="s"),
    scratch_types=[
        pltpu.VMEM((CHUNK,), jnp.int32),
        pltpu.VMEM((CHUNK, EMB_DIM), jnp.float32),
        pltpu.SemaphoreType.DMA,
    ],
    compiler_params=pltpu.CompilerParams(use_tc_tiling_on_sc=False),
)(_gather_body)


def _mlp_body(cat_ref, nums_ref, w1e_ref, w1n_ref, b1_ref, w2_ref, b2_ref,
              out_ref):
    x4 = cat_ref[...]
    w1e = w1e_ref[...]
    acc = nums_ref[...] @ w1n_ref[...] + b1_ref[...]
    for g in range(3):
        acc = acc + x4[g] @ w1e[g * 128:(g + 1) * 128]
    acc = acc + x4[3][:, :32] @ w1e[384:416]
    h = jnp.maximum(acc, 0.0)
    out_ref[...] = h @ w2_ref[...] + b2_ref[...]


def _mlp(cats4, nums, w1e, w1n, b1, w2, b2):
    bm = 2048
    grid = BATCH // bm
    return pl.pallas_call(
        _mlp_body,
        grid=(grid,),
        in_specs=[
            pl.BlockSpec((4, bm, 128), lambda i: (0, i, 0)),
            pl.BlockSpec((bm, NUM_DIM), lambda i: (i, 0)),
            pl.BlockSpec((N_FIELDS * EMB_DIM, 64), lambda i: (0, 0)),
            pl.BlockSpec((NUM_DIM, 64), lambda i: (0, 0)),
            pl.BlockSpec((1, 64), lambda i: (0, 0)),
            pl.BlockSpec((64, 1), lambda i: (0, 0)),
            pl.BlockSpec((1, 1), lambda i: (0, 0)),
        ],
        out_specs=pl.BlockSpec((bm, 1), lambda i: (i, 0)),
        out_shape=jax.ShapeDtypeStruct((BATCH, 1), jnp.float32),
    )(cats4, nums, w1e, w1n, b1, w2, b2)


def kernel(cats, nums, emb_tables, W1, b1, W2, b2):
    tab_t = jnp.transpose(emb_tables, (0, 2, 1))
    tail = _tail(tab_t)
    ltab1, lcats = _reformat(tab_t, tail, cats.astype(jnp.int32))
    ltab = ltab1.reshape(N_FIELDS * VPAD, EMB_DIM)
    cats4 = _gather(lcats, ltab)
    w1e = W1[: N_FIELDS * EMB_DIM]
    w1n = W1[N_FIELDS * EMB_DIM :]
    return _mlp(cats4, nums, w1e, w1n, b1[None, :], W2, b2[None, :])

# --- scband reference (transcript-rebuilt; emitter-appended) ---
"""Pipeline reference for scband-embedding-model-52020643889439 (READ-ONLY COPY).

The authoritative reference and input builder live on the scoring server;
editing this copy changes nothing except your own understanding.
"""

import jax, jax.numpy as jnp
import numpy as np

N_FIELDS = 26
VOCAB = 100000
EMB_DIM = 16
NUM_DIM = 13
BATCH = 16384
TOTAL_IN = N_FIELDS * EMB_DIM + NUM_DIM  # 429


def setup_inputs(seed: int = 0) -> dict:
    key = jax.random.key(seed)
    ks = jax.random.split(key, 8)
    cats = jax.random.randint(ks[0], (N_FIELDS, BATCH), 0, VOCAB)
    nums = jax.random.normal(ks[1], (BATCH, NUM_DIM), dtype=jnp.float32)
    # stacked embedding tables, one per field; nn.Embedding(cat_dim + 1, emb_dim)
    emb_tables = jax.random.normal(ks[2], (N_FIELDS, VOCAB + 1, EMB_DIM), dtype=jnp.float32) * 0.01
    W1 = jax.random.normal(ks[3], (TOTAL_IN, 64), dtype=jnp.float32) * 0.05
    b1 = jnp.zeros((64,), dtype=jnp.float32)
    W2 = jax.random.normal(ks[4], (64, 1), dtype=jnp.float32) * 0.05
    b2 = jnp.zeros((1,), dtype=jnp.float32)
    return {"cats": cats, "nums": nums, "emb_tables": emb_tables, "W1": W1, "b1": b1, "W2": W2, "b2": b2}


def reference(cats, nums, emb_tables, W1, b1, W2, b2):
    # per-field embedding lookup: emb_layers[i](cats[i]) -> [BATCH, EMB_DIM]
    embs = jax.vmap(lambda table, idx: jnp.take(table, idx, axis=0))(emb_tables, cats)  # [N_FIELDS, BATCH, EMB_DIM]
    # dropout is identity in eval mode
    cat_feat = jnp.transpose(embs, (1, 0, 2)).reshape(BATCH, N_FIELDS * EMB_DIM)
    x = jnp.concatenate([cat_feat, nums], axis=1)  # [BATCH, 429]
    h = jax.nn.relu(x @ W1 + b1)
    # second dropout is identity in eval mode
    out = h @ W2 + b2
    return out

if __name__ == "__main__":
    import jax
    _d = setup_inputs()
    print(jax.jit(kernel)(*tuple(_d.values())))

</pallas_src>

<mosaic_0001>
#map = affine_map<(d0, d1) -> (0, 0, 0)>
#map1 = affine_map<(d0, d1) -> (0, 0)>
#map2 = affine_map<(d0, d1) -> (0)>
module attributes {stable_mosaic.version = 14 : i64} {
  func.func @_reformat_body(%arg0: i32, %arg1: i32, %arg2: memref<26x16x100001xf32, #tpu.memory_space<hbm>>, %arg3: memref<416x128xf32, #tpu.memory_space<hbm>>, %arg4: memref<26x16384xi32, #tpu.memory_space<hbm>>, %arg5: memref<41639936xf32, #tpu.memory_space<hbm>>, %arg6: memref<425984xi32, #tpu.memory_space<hbm>>, %arg7: memref<16x1024xf32, #tpu.memory_space<vmem>>, %arg8: memref<16x1024xf32, #tpu.memory_space<vmem>>, %arg9: memref<16384xf32, #tpu.memory_space<vmem>>, %arg10: memref<16384xf32, #tpu.memory_space<vmem>>, %arg11: memref<16384xi32, #tpu.memory_space<vmem>>, %arg12: memref<16x128xf32, #tpu.memory_space<vmem>>, %arg13: memref<!tpu.dma_semaphore, #tpu.memory_space<semaphore_mem>>, %arg14: memref<!tpu.dma_semaphore, #tpu.memory_space<semaphore_mem>>, %arg15: memref<!tpu.dma_semaphore, #tpu.memory_space<semaphore_mem>>, %arg16: memref<!tpu.dma_semaphore, #tpu.memory_space<semaphore_mem>>) attributes {dimension_semantics = [#tpu.dimension_semantics<core_parallel>, #tpu.dimension_semantics<subcore_parallel>], iteration_bounds = array<i64: 2, 16>, scalar_prefetch = 0 : i64, scratch_operands = 10 : i64, tpu.core_type = #tpu.core_type<sc_vector_subcore>, window_params = [{transform_indices = #map}, {transform_indices = #map1}, {transform_indices = #map1}, {transform_indices = #map2}, {transform_indices = #map2}]} {
    %mul3A = arith.constant 2 : i32
    %mul3A_0 = arith.muli %arg1, %mul3A : i32
    %add3A = arith.addi %mul3A_0, %arg0 : i32
    %iota3A = tpu.iota {dimensions = array<i32: 0>} : vector<16xi32>
    %add3A_1 = arith.constant 0 : i32
    %add3A_2 = arith.addi %add3A_1, %add3A : i32
    %min3A = arith.constant 2521 : i32
    %min3A_3 = arith.minsi %add3A_2, %min3A : i32
    %jit3A = arith.constant 97 : i32
    %div3A = arith.divsi %min3A_3, %jit3A : i32
    %sign3A = arith.constant 0 : i32
    %sign3A_4 = arith.cmpi sgt, %min3A_3, %sign3A : i32
    %sign3A_5 = arith.extui %sign3A_4 : i1 to i32
    %sign3A_6 = arith.constant 0 : i32
    %sign3A_7 = arith.cmpi slt, %min3A_3, %sign3A_6 : i32
    %sign3A_8 = arith.extui %sign3A_7 : i1 to i32
    %sign3A_9 = arith.subi %sign3A_5, %sign3A_8 : i32
    %sign3A_10 = arith.constant 0 : i32
    %sign3A_11 = arith.cmpi sgt, %jit3A, %sign3A_10 : i32
    %sign3A_12 = arith.extui %sign3A_11 : i1 to i32
    %sign3A_13 = arith.constant 0 : i32
    %sign3A_14 = arith.cmpi slt, %jit3A, %sign3A_13 : i32
    %sign3A_15 = arith.extui %sign3A_14 : i1 to i32
    %sign3A_16 = arith.subi %sign3A_12, %sign3A_15 : i32
    %ne3A = arith.cmpi ne, %sign3A_9, %sign3A_16 : i32
    %rem3A = arith.remsi %min3A_3, %jit3A : i32
    %ne3A_17 = arith.constant 0 : i32
    %ne3A_18 = arith.cmpi ne, %rem3A, %ne3A_17 : i32
    %and3A = arith.andi %ne3A, %ne3A_18 : i1
    %sub3A = arith.constant 1 : i32
    %sub3A_19 = arith.subi %div3A, %sub3A : i32
    %select_n3A = arith.select %and3A, %sub3A_19, %div3A : i32
    %jit3A_20 = arith.constant 97 : i32
    %eq3A = arith.constant 0 : i32
    %eq3A_21 = arith.cmpi eq, %jit3A_20, %eq3A : i32
    %jit3A_22 = arith.constant 1 : i32
    %select_n3A_23 = arith.select %eq3A_21, %jit3A_22, %jit3A_20 : i32
    %rem3A_24 = arith.remsi %min3A_3, %select_n3A_23 : i32
    %ne3A_25 = arith.constant 0 : i32
    %ne3A_26 = arith.cmpi ne, %rem3A_24, %ne3A_25 : i32
    %lt3A = arith.constant 0 : i32
    %lt3A_27 = arith.cmpi slt, %rem3A_24, %lt3A : i32
    %lt3A_28 = arith.constant 0 : i32
    %lt3A_29 = arith.cmpi slt, %select_n3A_23, %lt3A_28 : i32
    %ne3A_30 = arith.xori %lt3A_27, %lt3A_29 : i1
    %and3A_31 = arith.andi %ne3A_30, %ne3A_26 : i1
    %add3A_32 = arith.addi %rem3A_24, %select_n3A_23 : i32
    %select_n3A_33 = arith.select %and3A_31, %add3A_32, %rem3A_24 : i32
    %mul3A_34 = arith.constant 1024 : i32
    %mul3A_35 = arith.muli %select_n3A_33, %mul3A_34 : i32
    %dma_start3A = arith.constant 0 : i32
    %dma_start3A_36 = tpu.memref_slice %arg2[%select_n3A, %dma_start3A, %mul3A_35] : memref<26x16x100001xf32, #tpu.memory_space<hbm>> -> memref<1x16x1024xf32, #tpu.memory_space<hbm>>
    %dma_start3A_37 = tpu.memref_squeeze %dma_start3A_36 : memref<1x16x1024xf32, #tpu.memory_space<hbm>> -> memref<16x1024xf32, #tpu.memory_space<hbm>>
    %dma_start3A_38 = arith.constant 0 : i32
    %dma_start3A_39 = tpu.memref_slice %arg2[%select_n3A, %dma_start3A_38, %mul3A_35] : memref<26x16x100001xf32, #tpu.memory_space<hbm>> -> memref<1x16x1024xf32, #tpu.memory_space<hbm>>
    %dma_start3A_40 = tpu.memref_squeeze %dma_start3A_39 : memref<1x16x1024xf32, #tpu.memory_space<hbm>> -> memref<16x1024xf32, #tpu.memory_space<hbm>>
    tpu.enqueue_dma source(%dma_start3A_40 : memref<16x1024xf32, #tpu.memory_space<hbm>>) target(%arg7 : memref<16x1024xf32, #tpu.memory_space<vmem>>) target_semaphore(%arg13 : memref<!tpu.dma_semaphore, #tpu.memory_space<semaphore_mem>>)
    %scan3A = arith.constant 0 : i32
    %scan3A_41 = arith.constant 0 : i32
    %scan3A_42 = arith.constant 79 : i32
    %scan3A_43 = arith.addi %scan3A_41, %scan3A_42 : i32
    %scan3A_44 = arith.constant 1 : i32
    %scan3A_45 = scf.for %scan3A_57 = %scan3A_41 to %scan3A_43 step %scan3A_44 iter_args(%scan3A_58 = %scan3A) -> (i32)  : i32 {
      %jit3A_59 = arith.constant 2 : i32
      %eq3A_60 = arith.constant 0 : i32
      %eq3A_61 = arith.cmpi eq, %jit3A_59, %eq3A_60 : i32
      %jit3A_62 = arith.constant 1 : i32
      %select_n3A_63 = arith.select %eq3A_61, %jit3A_62, %jit3A_59 : i32
      %rem3A_64 = arith.remsi %scan3A_57, %select_n3A_63 : i32
      %ne3A_65 = arith.constant 0 : i32
      %ne3A_66 = arith.cmpi ne, %rem3A_64, %ne3A_65 : i32
      %lt3A_67 = arith.constant 0 : i32
      %lt3A_68 = arith.cmpi slt, %rem3A_64, %lt3A_67 : i32
      %lt3A_69 = arith.constant 0 : i32
      %lt3A_70 = arith.cmpi slt, %select_n3A_63, %lt3A_69 : i32
      %ne3A_71 = arith.xori %lt3A_68, %lt3A_70 : i1
      %and3A_72 = arith.andi %ne3A_71, %ne3A_66 : i1
      %add3A_73 = arith.addi %rem3A_64, %select_n3A_63 : i32
      %select_n3A_74 = arith.select %and3A_72, %add3A_73, %rem3A_64 : i32
      %eq3A_75 = arith.constant 0 : i32
      %eq3A_76 = arith.cmpi eq, %select_n3A_74, %eq3A_75 : i32
      %convert_element_type3A_77 = arith.extui %eq3A_76 : i1 to i32
      %cond3A_78 = arith.constant 0 : i32
      %cond3A_79 = arith.cmpi ne, %convert_element_type3A_77, %cond3A_78 : i32
      scf.if %cond3A_79 {
        %add3A_102 = arith.constant 1 : i32
        %add3A_103 = arith.addi %scan3A_57, %add3A_102 : i32
        %lt3A_104 = arith.constant 79 : i32
        %lt3A_105 = arith.cmpi slt, %add3A_103, %lt3A_104 : i32
        %convert_element_type3A_106 = arith.extui %lt3A_105 : i1 to i32
        %cond3A_107 = arith.constant 0 : i32
        %cond3A_108 = arith.cmpi ne, %convert_element_type3A_106, %cond3A_107 : i32
        scf.if %cond3A_108 {
          %add3A_180 = arith.constant 1 : i32
          %add3A_181 = arith.addi %scan3A_57, %add3A_180 : i32
          %mul3A_182 = arith.constant 32 : i32
          %mul3A_183 = arith.muli %add3A_181, %mul3A_182 : i32
          %add3A_184 = arith.addi %mul3A_183, %add3A : i32
          %min3A_185 = arith.constant 2521 : i32
          %min3A_186 = arith.minsi %add3A_184, %min3A_185 : i32
          %jit3A_187 = arith.constant 97 : i32
          %div3A_188 = arith.divsi %min3A_186, %jit3A_187 : i32
          %sign3A_189 = arith.constant 0 : i32
          %sign3A_190 = arith.cmpi sgt, %min3A_186, %sign3A_189 : i32
          %sign3A_191 = arith.extui %sign3A_190 : i1 to i32
          %sign3A_192 = arith.constant 0 : i32
          %sign3A_193 = arith.cmpi slt, %min3A_186, %sign3A_192 : i32
          %sign3A_194 = arith.extui %sign3A_193 : i1 to i32
          %sign3A_195 = arith.subi %sign3A_191, %sign3A_194 : i32
          %sign3A_196 = arith.constant 0 : i32
          %sign3A_197 = arith.cmpi sgt, %jit3A_187, %sign3A_196 : i32
          %sign3A_198 = arith.extui %sign3A_197 : i1 to i32
          %sign3A_199 = arith.constant 0 : i32
          %sign3A_200 = arith.cmpi slt, %jit3A_187, %sign3A_199 : i32
          %sign3A_201 = arith.extui %sign3A_200 : i1 to i32
          %sign3A_202 = arith.subi %sign3A_198, %sign3A_201 : i32
          %ne3A_203 = arith.cmpi ne, %sign3A_195, %sign3A_202 : i32
          %rem3A_204 = arith.remsi %min3A_186, %jit3A_187 : i32
          %ne3A_205 = arith.constant 0 : i32
          %ne3A_206 = arith.cmpi ne, %rem3A_204, %ne3A_205 : i32
          %and3A_207 = arith.andi %ne3A_203, %ne3A_206 : i1
          %sub3A_208 = arith.constant 1 : i32
          %sub3A_209 = arith.subi %div3A_188, %sub3A_208 : i32
          %select_n3A_210 = arith.select %and3A_207, %sub3A_209, %div3A_188 : i32
          %jit3A_211 = arith.constant 97 : i32
          %eq3A_212 = arith.constant 0 : i32
          %eq3A_213 = arith.cmpi eq, %jit3A_211, %eq3A_212 : i32
          %jit3A_214 = arith.constant 1 : i32
          %select_n3A_215 = arith.select %eq3A_213, %jit3A_214, %jit3A_211 : i32
          %rem3A_216 = arith.remsi %min3A_186, %select_n3A_215 : i32
          %ne3A_217 = arith.constant 0 : i32
          %ne3A_218 = arith.cmpi ne, %rem3A_216, %ne3A_217 : i32
          %lt3A_219 = arith.constant 0 : i32
          %lt3A_220 = arith.cmpi slt, %rem3A_216, %lt3A_219 : i32
          %lt3A_221 = arith.constant 0 : i32
          %lt3A_222 = arith.cmpi slt, %select_n3A_215, %lt3A_221 : i32
          %ne3A_223 = arith.xori %lt3A_220, %lt3A_222 : i1
          %and3A_224 = arith.andi %ne3A_223, %ne3A_218 : i1
          %add3A_225 = arith.addi %rem3A_216, %select_n3A_215 : i32
          %select_n3A_226 = arith.select %and3A_224, %add3A_225, %rem3A_216 : i32
          %mul3A_227 = arith.constant 1024 : i32
          %mul3A_228 = arith.muli %select_n3A_226, %mul3A_227 : i32
          %dma_start3A_229 = arith.constant 0 : i32
          %dma_start3A_230 = tpu.memref_slice %arg2[%select_n3A_210, %dma_start3A_229, %mul3A_228] : memref<26x16x100001xf32, #tpu.memory_space<hbm>> -> memref<1x16x1024xf32, #tpu.memory_space<hbm>>
          %dma_start3A_231 = tpu.memref_squeeze %dma_start3A_230 : memref<1x16x1024xf32, #tpu.memory_space<hbm>> -> memref<16x1024xf32, #tpu.memory_space<hbm>>
          %dma_start3A_232 = arith.constant 0 : i32
          %dma_start3A_233 = tpu.memref_slice %arg2[%select_n3A_210, %dma_start3A_232, %mul3A_228] : memref<26x16x100001xf32, #tpu.memory_space<hbm>> -> memref<1x16x1024xf32, #tpu.memory_space<hbm>>
          %dma_start3A_234 = tpu.memref_squeeze %dma_start3A_233 : memref<1x16x1024xf32, #tpu.memory_space<hbm>> -> memref<16x1024xf32, #tpu.memory_space<hbm>>
          tpu.enqueue_dma source(%dma_start3A_234 : memref<16x1024xf32, #tpu.memory_space<hbm>>) target(%arg8 : memref<16x1024xf32, #tpu.memory_space<vmem>>) target_semaphore(%arg14 : memref<!tpu.dma_semaphore, #tpu.memory_space<semaphore_mem>>)
        } else {
        }
        %dma_wait3A_109 = arith.constant 0 : i32
        %dma_wait3A_110 = arith.constant 0 : i32
        %dma_wait3A_111 = arith.constant 0 : i32
        %dma_wait3A_112 = tpu.memref_slice %arg2[%dma_wait3A_109, %dma_wait3A_110, %dma_wait3A_111] : memref<26x16x100001xf32, #tpu.memory_space<hbm>> -> memref<1x16x1024xf32, #tpu.memory_space<hbm>>
        %dma_wait3A_113 = tpu.memref_squeeze %dma_wait3A_112 : memref<1x16x1024xf32, #tpu.memory_space<hbm>> -> memref<16x1024xf32, #tpu.memory_space<hbm>>
        %dma_wait3A_114 = arith.constant 0 : i32
        %dma_wait3A_115 = arith.constant 0 : i32
        %dma_wait3A_116 = tpu.memref_slice %arg2[%dma_wait3A_109, %dma_wait3A_114, %dma_wait3A_115] : memref<26x16x100001xf32, #tpu.memory_space<hbm>> -> memref<1x16x1024xf32, #tpu.memory_space<hbm>>
        %dma_wait3A_117 = tpu.memref_squeeze %dma_wait3A_116 : memref<1x16x1024xf32, #tpu.memory_space<hbm>> -> memref<16x1024xf32, #tpu.memory_space<hbm>>
        tpu.wait_dma2 semaphore(%arg13 : memref<!tpu.dma_semaphore, #tpu.memory_space<semaphore_mem>>) src(%dma_wait3A_117 : memref<16x1024xf32, #tpu.memory_space<hbm>>) dst(%arg7 : memref<16x1024xf32, #tpu.memory_space<vmem>>)
        %ge3A = arith.constant 2 : i32
        %ge3A_118 = arith.cmpi sge, %scan3A_57, %ge3A : i32
        %convert_element_type3A_119 = arith.extui %ge3A_118 : i1 to i32
        %cond3A_120 = arith.constant 0 : i32
        %cond3A_121 = arith.cmpi ne, %convert_element_type3A_119, %cond3A_120 : i32
        scf.if %cond3A_121 {
          %dma_wait3A_180 = arith.constant 0 : i32
          %dma_wait3A_181 = tpu.memref_slice %arg5[%dma_wait3A_180] : memref<41639936xf32, #tpu.memory_space<hbm>> -> memref<16384xf32, #tpu.memory_space<hbm>>
          %dma_wait3A_182 = arith.constant 0 : i32
          %dma_wait3A_183 = tpu.memref_slice %arg5[%dma_wait3A_182] : memref<41639936xf32, #tpu.memory_space<hbm>> -> memref<16384xf32, #tpu.memory_space<hbm>>
          tpu.wait_dma2 semaphore(%arg15 : memref<!tpu.dma_semaphore, #tpu.memory_space<semaphore_mem>>) src(%arg9 : memref<16384xf32, #tpu.memory_space<vmem>>) dst(%dma_wait3A_183 : memref<16384xf32, #tpu.memory_space<hbm>>)
        } else {
        }
        %broadcast_in_dim3A = arith.constant 0 : i32
        %broadcast_in_dim3A_122 = vector.broadcast %broadcast_in_dim3A : i32 to vector<16xi32>
        %parallel_loop3A = arith.constant 0 : i32
        %parallel_loop3A_123 = arith.constant 1024 : i32
        %parallel_loop3A_124 = arith.constant 1 : i32
        %parallel_loop3A_125 = scf.for %parallel_loop3A_180 = %parallel_loop3A to %parallel_loop3A_123 step %parallel_loop3A_124 iter_args(%parallel_loop3A_181 = %broadcast_in_dim3A_122) -> (vector<16xi32>)  : i32 {
          %parallel_loop3A_182 = tpu.vector_load_idx %arg7[%iota3A, %parallel_loop3A_181] : memref<16x1024xf32, #tpu.memory_space<vmem>>[vector<16xi32>, vector<16xi32>], vector<16xf32>,
          %parallel_loop3A_183 = arith.constant 16 : i32
          %parallel_loop3A_184 = arith.muli %parallel_loop3A_180, %parallel_loop3A_183 : i32
          %parallel_loop3A_185 = arith.index_cast %parallel_loop3A_184 : i32 to index
          %parallel_loop3A_186 = tpu.vector_load %arg9[%parallel_loop3A_185] {strides = array<i32>} : memref<16384xf32, #tpu.memory_space<vmem>>, vector<16xf32>,
          tpu.vector_store %arg9[%parallel_loop3A_185], %parallel_loop3A_182 {strides = array<i32>} : memref<16384xf32, #tpu.memory_space<vmem>>, vector<16xf32>,
          %parallel_loop3A_187 = arith.constant 1 : i32
          %parallel_loop3A_188 = vector.broadcast %parallel_loop3A_187 : i32 to vector<16xi32>
          %parallel_loop3A_189 = arith.addi %parallel_loop3A_181, %parallel_loop3A_188 : vector<16xi32>
          scf.yield %parallel_loop3A_189 : vector<16xi32>
        } {sc.loop_unroll_factor = 8 : i64, sc.parallel_access}
        %mul3A_126 = arith.constant 32 : i32
        %mul3A_127 = arith.muli %scan3A_57, %mul3A_126 : i32
        %add3A_128 = arith.addi %mul3A_127, %add3A : i32
        %min3A_129 = arith.constant 2521 : i32
        %min3A_130 = arith.minsi %add3A_128, %min3A_129 : i32
        %jit3A_131 = arith.constant 97 : i32
        %div3A_132 = arith.divsi %min3A_130, %jit3A_131 : i32
        %sign3A_133 = arith.constant 0 : i32
        %sign3A_134 = arith.cmpi sgt, %min3A_130, %sign3A_133 : i32
        %sign3A_135 = arith.extui %sign3A_134 : i1 to i32
        %sign3A_136 = arith.constant 0 : i32
        %sign3A_137 = arith.cmpi slt, %min3A_130, %sign3A_136 : i32
        %sign3A_138 = arith.extui %sign3A_137 : i1 to i32
        %sign3A_139 = arith.subi %sign3A_135, %sign3A_138 : i32
        %sign3A_140 = arith.constant 0 : i32
        %sign3A_141 = arith.cmpi sgt, %jit3A_131, %sign3A_140 : i32
        %sign3A_142 = arith.extui %sign3A_141 : i1 to i32
        %sign3A_143 = arith.constant 0 : i32
        %sign3A_144 = arith.cmpi slt, %jit3A_131, %sign3A_143 : i32
        %sign3A_145 = arith.extui %sign3A_144 : i1 to i32
        %sign3A_146 = arith.subi %sign3A_142, %sign3A_145 : i32
        %ne3A_147 = arith.cmpi ne, %sign3A_139, %sign3A_146 : i32
        %rem3A_148 = arith.remsi %min3A_130, %jit3A_131 : i32
        %ne3A_149 = arith.constant 0 : i32
        %ne3A_150 = arith.cmpi ne, %rem3A_148, %ne3A_149 : i32
        %and3A_151 = arith.andi %ne3A_147, %ne3A_150 : i1
        %sub3A_152 = arith.constant 1 : i32
        %sub3A_153 = arith.subi %div3A_132, %sub3A_152 : i32
        %select_n3A_154 = arith.select %and3A_151, %sub3A_153, %div3A_132 : i32
        %jit3A_155 = arith.constant 97 : i32
        %eq3A_156 = arith.constant 0 : i32
        %eq3A_157 = arith.cmpi eq, %jit3A_155, %eq3A_156 : i32
        %jit3A_158 = arith.constant 1 : i32
        %select_n3A_159 = arith.select %eq3A_157, %jit3A_158, %jit3A_155 : i32
        %rem3A_160 = arith.remsi %min3A_130, %select_n3A_159 : i32
        %ne3A_161 = arith.constant 0 : i32
        %ne3A_162 = arith.cmpi ne, %rem3A_160, %ne3A_161 : i32
        %lt3A_163 = arith.constant 0 : i32
        %lt3A_164 = arith.cmpi slt, %rem3A_160, %lt3A_163 : i32
        %lt3A_165 = arith.constant 0 : i32
        %lt3A_166 = arith.cmpi slt, %select_n3A_159, %lt3A_165 : i32
        %ne3A_167 = arith.xori %lt3A_164, %lt3A_166 : i1
        %and3A_168 = arith.andi %ne3A_167, %ne3A_162 : i1
        %add3A_169 = arith.addi %rem3A_160, %select_n3A_159 : i32
        %select_n3A_170 = arith.select %and3A_168, %add3A_169, %rem3A_160 : i32
        %mul3A_171 = arith.constant 1024 : i32
        %mul3A_172 = arith.muli %select_n3A_170, %mul3A_171 : i32
        %mul3A_173 = arith.constant 100096 : i32
        %mul3A_174 = arith.muli %select_n3A_154, %mul3A_173 : i32
        %add3A_175 = arith.addi %mul3A_174, %mul3A_172 : i32
        %mul3A_176 = arith.constant 16 : i32
        %mul3A_177 = arith.muli %add3A_175, %mul3A_176 : i32
        %dma_start3A_178 = tpu.memref_slice %arg5[%mul3A_177] : memref<41639936xf32, #tpu.memory_space<hbm>> -> memref<16384xf32, #tpu.memory_space<hbm>>
        %dma_start3A_179 = tpu.memref_slice %arg5[%mul3A_177] : memref<41639936xf32, #tpu.memory_space<hbm>> -> memref<16384xf32, #tpu.memory_space<hbm>>
        tpu.enqueue_dma source(%arg9 : memref<16384xf32, #tpu.memory_space<vmem>>) target(%dma_start3A_179 : memref<16384xf32, #tpu.memory_space<hbm>>) target_semaphore(%arg15 : memref<!tpu.dma_semaphore, #tpu.memory_space<semaphore_mem>>)
      } else {
      }
      %jit3A_80 = arith.constant 2 : i32
      %eq3A_81 = arith.constant 0 : i32
      %eq3A_82 = arith.cmpi eq, %jit3A_80, %eq3A_81 : i32
      %jit3A_83 = arith.constant 1 : i32
      %select_n3A_84 = arith.select %eq3A_82, %jit3A_83, %jit3A_80 : i32
      %rem3A_85 = arith.remsi %scan3A_57, %select_n3A_84 : i32
      %ne3A_86 = arith.constant 0 : i32
      %ne3A_87 = arith.cmpi ne, %rem3A_85, %ne3A_86 : i32
      %lt3A_88 = arith.constant 0 : i32
      %lt3A_89 = arith.cmpi slt, %rem3A_85, %lt3A_88 : i32
      %lt3A_90 = arith.constant 0 : i32
      %lt3A_91 = arith.cmpi slt, %select_n3A_84, %lt3A_90 : i32
      %ne3A_92 = arith.xori %lt3A_89, %lt3A_91 : i1
      %and3A_93 = arith.andi %ne3A_92, %ne3A_87 : i1
      %add3A_94 = arith.addi %rem3A_85, %select_n3A_84 : i32
      %select_n3A_95 = arith.select %and3A_93, %add3A_94, %rem3A_85 : i32
      %eq3A_96 = arith.constant 1 : i32
      %eq3A_97 = arith.cmpi eq, %select_n3A_95, %eq3A_96 : i32
      %convert_element_type3A_98 = arith.extui %eq3A_97 : i1 to i32
      %cond3A_99 = arith.constant 0 : i32
      %cond3A_100 = arith.cmpi ne, %convert_element_type3A_98, %cond3A_99 : i32
      scf.if %cond3A_100 {
        %add3A_102 = arith.constant 1 : i32
        %add3A_103 = arith.addi %scan3A_57, %add3A_102 : i32
        %lt3A_104 = arith.constant 79 : i32
        %lt3A_105 = arith.cmpi slt, %add3A_103, %lt3A_104 : i32
        %convert_element_type3A_106 = arith.extui %lt3A_105 : i1 to i32
        %cond3A_107 = arith.constant 0 : i32
        %cond3A_108 = arith.cmpi ne, %convert_element_type3A_106, %cond3A_107 : i32
        scf.if %cond3A_108 {
          %add3A_180 = arith.constant 1 : i32
          %add3A_181 = arith.addi %scan3A_57, %add3A_180 : i32
          %mul3A_182 = arith.constant 32 : i32
          %mul3A_183 = arith.muli %add3A_181, %mul3A_182 : i32
          %add3A_184 = arith.addi %mul3A_183, %add3A : i32
          %min3A_185 = arith.constant 2521 : i32
          %min3A_186 = arith.minsi %add3A_184, %min3A_185 : i32
          %jit3A_187 = arith.constant 97 : i32
          %div3A_188 = arith.divsi %min3A_186, %jit3A_187 : i32
          %sign3A_189 = arith.constant 0 : i32
          %sign3A_190 = arith.cmpi sgt, %min3A_186, %sign3A_189 : i32
          %sign3A_191 = arith.extui %sign3A_190 : i1 to i32
          %sign3A_192 = arith.constant 0 : i32
          %sign3A_193 = arith.cmpi slt, %min3A_186, %sign3A_192 : i32
          %sign3A_194 = arith.extui %sign3A_193 : i1 to i32
          %sign3A_195 = arith.subi %sign3A_191, %sign3A_194 : i32
          %sign3A_196 = arith.constant 0 : i32
          %sign3A_197 = arith.cmpi sgt, %jit3A_187, %sign3A_196 : i32
          %sign3A_198 = arith.extui %sign3A_197 : i1 to i32
          %sign3A_199 = arith.constant 0 : i32
          %sign3A_200 = arith.cmpi slt, %jit3A_187, %sign3A_199 : i32
          %sign3A_201 = arith.extui %sign3A_200 : i1 to i32
          %sign3A_202 = arith.subi %sign3A_198, %sign3A_201 : i32
          %ne3A_203 = arith.cmpi ne, %sign3A_195, %sign3A_202 : i32
          %rem3A_204 = arith.remsi %min3A_186, %jit3A_187 : i32
          %ne3A_205 = arith.constant 0 : i32
          %ne3A_206 = arith.cmpi ne, %rem3A_204, %ne3A_205 : i32
          %and3A_207 = arith.andi %ne3A_203, %ne3A_206 : i1
          %sub3A_208 = arith.constant 1 : i32
          %sub3A_209 = arith.subi %div3A_188, %sub3A_208 : i32
          %select_n3A_210 = arith.select %and3A_207, %sub3A_209, %div3A_188 : i32
          %jit3A_211 = arith.constant 97 : i32
          %eq3A_212 = arith.constant 0 : i32
          %eq3A_213 = arith.cmpi eq, %jit3A_211, %eq3A_212 : i32
          %jit3A_214 = arith.constant 1 : i32
          %select_n3A_215 = arith.select %eq3A_213, %jit3A_214, %jit3A_211 : i32
          %rem3A_216 = arith.remsi %min3A_186, %select_n3A_215 : i32
          %ne3A_217 = arith.constant 0 : i32
          %ne3A_218 = arith.cmpi ne, %rem3A_216, %ne3A_217 : i32
          %lt3A_219 = arith.constant 0 : i32
          %lt3A_220 = arith.cmpi slt, %rem3A_216, %lt3A_219 : i32
          %lt3A_221 = arith.constant 0 : i32
          %lt3A_222 = arith.cmpi slt, %select_n3A_215, %lt3A_221 : i32
          %ne3A_223 = arith.xori %lt3A_220, %lt3A_222 : i1
          %and3A_224 = arith.andi %ne3A_223, %ne3A_218 : i1
          %add3A_225 = arith.addi %rem3A_216, %select_n3A_215 : i32
          %select_n3A_226 = arith.select %and3A_224, %add3A_225, %rem3A_216 : i32
          %mul3A_227 = arith.constant 1024 : i32
          %mul3A_228 = arith.muli %select_n3A_226, %mul3A_227 : i32
          %dma_start3A_229 = arith.constant 0 : i32
          %dma_start3A_230 = tpu.memref_slice %arg2[%select_n3A_210, %dma_start3A_229, %mul3A_228] : memref<26x16x100001xf32, #tpu.memory_space<hbm>> -> memref<1x16x1024xf32, #tpu.memory_space<hbm>>
          %dma_start3A_231 = tpu.memref_squeeze %dma_start3A_230 : memref<1x16x1024xf32, #tpu.memory_space<hbm>> -> memref<16x1024xf32, #tpu.memory_space<hbm>>
          %dma_start3A_232 = arith.constant 0 : i32
          %dma_start3A_233 = tpu.memref_slice %arg2[%select_n3A_210, %dma_start3A_232, %mul3A_228] : memref<26x16x100001xf32, #tpu.memory_space<hbm>> -> memref<1x16x1024xf32, #tpu.memory_space<hbm>>
          %dma_start3A_234 = tpu.memref_squeeze %dma_start3A_233 : memref<1x16x1024xf32, #tpu.memory_space<hbm>> -> memref<16x1024xf32, #tpu.memory_space<hbm>>
          tpu.enqueue_dma source(%dma_start3A_234 : memref<16x1024xf32, #tpu.memory_space<hbm>>) target(%arg7 : memref<16x1024xf32, #tpu.memory_space<vmem>>) target_semaphore(%arg13 : memref<!tpu.dma_semaphore, #tpu.memory_space<semaphore_mem>>)
        } else {
        }
        %dma_wait3A_109 = arith.constant 0 : i32
        %dma_wait3A_110 = arith.constant 0 : i32
        %dma_wait3A_111 = arith.constant 0 : i32
        %dma_wait3A_112 = tpu.memref_slice %arg2[%dma_wait3A_109, %dma_wait3A_110, %dma_wait3A_111] : memref<26x16x100001xf32, #tpu.memory_space<hbm>> -> memref<1x16x1024xf32, #tpu.memory_space<hbm>>
        %dma_wait3A_113 = tpu.memref_squeeze %dma_wait3A_112 : memref<1x16x1024xf32, #tpu.memory_space<hbm>> -> memref<16x1024xf32, #tpu.memory_space<hbm>>
        %dma_wait3A_114 = arith.constant 0 : i32
        %dma_wait3A_115 = arith.constant 0 : i32
        %dma_wait3A_116 = tpu.memref_slice %arg2[%dma_wait3A_109, %dma_wait3A_114, %dma_wait3A_115] : memref<26x16x100001xf32, #tpu.memory_space<hbm>> -> memref<1x16x1024xf32, #tpu.memory_space<hbm>>
        %dma_wait3A_117 = tpu.memref_squeeze %dma_wait3A_116 : memref<1x16x1024xf32, #tpu.memory_space<hbm>> -> memref<16x1024xf32, #tpu.memory_space<hbm>>
        tpu.wait_dma2 semaphore(%arg14 : memref<!tpu.dma_semaphore, #tpu.memory_space<semaphore_mem>>) src(%dma_wait3A_117 : memref<16x1024xf32, #tpu.memory_space<hbm>>) dst(%arg7 : memref<16x1024xf32, #tpu.memory_space<vmem>>)
        %ge3A = arith.constant 2 : i32
        %ge3A_118 = arith.cmpi sge, %scan3A_57, %ge3A : i32
        %convert_element_type3A_119 = arith.extui %ge3A_118 : i1 to i32
        %cond3A_120 = arith.constant 0 : i32
        %cond3A_121 = arith.cmpi ne, %convert_element_type3A_119, %cond3A_120 : i32
        scf.if %cond3A_121 {
          %dma_wait3A_180 = arith.constant 0 : i32
          %dma_wait3A_181 = tpu.memref_slice %arg5[%dma_wait3A_180] : memref<41639936xf32, #tpu.memory_space<hbm>> -> memref<16384xf32, #tpu.memory_space<hbm>>
          %dma_wait3A_182 = arith.constant 0 : i32
          %dma_wait3A_183 = tpu.memref_slice %arg5[%dma_wait3A_182] : memref<41639936xf32, #tpu.memory_space<hbm>> -> memref<16384xf32, #tpu.memory_space<hbm>>
          tpu.wait_dma2 semaphore(%arg16 : memref<!tpu.dma_semaphore, #tpu.memory_space<semaphore_mem>>) src(%arg9 : memref<16384xf32, #tpu.memory_space<vmem>>) dst(%dma_wait3A_183 : memref<16384xf32, #tpu.memory_space<hbm>>)
        } else {
        }
        %broadcast_in_dim3A = arith.constant 0 : i32
        %broadcast_in_dim3A_122 = vector.broadcast %broadcast_in_dim3A : i32 to vector<16xi32>
        %parallel_loop3A = arith.constant 0 : i32
        %parallel_loop3A_123 = arith.constant 1024 : i32
        %parallel_loop3A_124 = arith.constant 1 : i32
        %parallel_loop3A_125 = scf.for %parallel_loop3A_180 = %parallel_loop3A to %parallel_loop3A_123 step %parallel_loop3A_124 iter_args(%parallel_loop3A_181 = %broadcast_in_dim3A_122) -> (vector<16xi32>)  : i32 {
          %parallel_loop3A_182 = tpu.vector_load_idx %arg8[%iota3A, %parallel_loop3A_181] : memref<16x1024xf32, #tpu.memory_space<vmem>>[vector<16xi32>, vector<16xi32>], vector<16xf32>,
          %parallel_loop3A_183 = arith.constant 16 : i32
          %parallel_loop3A_184 = arith.muli %parallel_loop3A_180, %parallel_loop3A_183 : i32
          %parallel_loop3A_185 = arith.index_cast %parallel_loop3A_184 : i32 to index
          %parallel_loop3A_186 = tpu.vector_load %arg10[%parallel_loop3A_185] {strides = array<i32>} : memref<16384xf32, #tpu.memory_space<vmem>>, vector<16xf32>,
          tpu.vector_store %arg10[%parallel_loop3A_185], %parallel_loop3A_182 {strides = array<i32>} : memref<16384xf32, #tpu.memory_space<vmem>>, vector<16xf32>,
          %parallel_loop3A_187 = arith.constant 1 : i32
          %parallel_loop3A_188 = vector.broadcast %parallel_loop3A_187 : i32 to vector<16xi32>
          %parallel_loop3A_189 = arith.addi %parallel_loop3A_181, %parallel_loop3A_188 : vector<16xi32>
          scf.yield %parallel_loop3A_189 : vector<16xi32>
        } {sc.loop_unroll_factor = 8 : i64, sc.parallel_access}
        %mul3A_126 = arith.constant 32 : i32
        %mul3A_127 = arith.muli %scan3A_57, %mul3A_126 : i32
        %add3A_128 = arith.addi %mul3A_127, %add3A : i32
        %min3A_129 = arith.constant 2521 : i32
        %min3A_130 = arith.minsi %add3A_128, %min3A_129 : i32
        %jit3A_131 = arith.constant 97 : i32
        %div3A_132 = arith.divsi %min3A_130, %jit3A_131 : i32
        %sign3A_133 = arith.constant 0 : i32
        %sign3A_134 = arith.cmpi sgt, %min3A_130, %sign3A_133 : i32
        %sign3A_135 = arith.extui %sign3A_134 : i1 to i32
        %sign3A_136 = arith.constant 0 : i32
        %sign3A_137 = arith.cmpi slt, %min3A_130, %sign3A_136 : i32
        %sign3A_138 = arith.extui %sign3A_137 : i1 to i32
        %sign3A_139 = arith.subi %sign3A_135, %sign3A_138 : i32
        %sign3A_140 = arith.constant 0 : i32
        %sign3A_141 = arith.cmpi sgt, %jit3A_131, %sign3A_140 : i32
        %sign3A_142 = arith.extui %sign3A_141 : i1 to i32
        %sign3A_143 = arith.constant 0 : i32
        %sign3A_144 = arith.cmpi slt, %jit3A_131, %sign3A_143 : i32
        %sign3A_145 = arith.extui %sign3A_144 : i1 to i32
        %sign3A_146 = arith.subi %sign3A_142, %sign3A_145 : i32
        %ne3A_147 = arith.cmpi ne, %sign3A_139, %sign3A_146 : i32
        %rem3A_148 = arith.remsi %min3A_130, %jit3A_131 : i32
        %ne3A_149 = arith.constant 0 : i32
        %ne3A_150 = arith.cmpi ne, %rem3A_148, %ne3A_149 : i32
        %and3A_151 = arith.andi %ne3A_147, %ne3A_150 : i1
        %sub3A_152 = arith.constant 1 : i32
        %sub3A_153 = arith.subi %div3A_132, %sub3A_152 : i32
        %select_n3A_154 = arith.select %and3A_151, %sub3A_153, %div3A_132 : i32
        %jit3A_155 = arith.constant 97 : i32
        %eq3A_156 = arith.constant 0 : i32
        %eq3A_157 = arith.cmpi eq, %jit3A_155, %eq3A_156 : i32
        %jit3A_158 = arith.constant 1 : i32
        %select_n3A_159 = arith.select %eq3A_157, %jit3A_158, %jit3A_155 : i32
        %rem3A_160 = arith.remsi %min3A_130, %select_n3A_159 : i32
        %ne3A_161 = arith.constant 0 : i32
        %ne3A_162 = arith.cmpi ne, %rem3A_160, %ne3A_161 : i32
        %lt3A_163 = arith.constant 0 : i32
        %lt3A_164 = arith.cmpi slt, %rem3A_160, %lt3A_163 : i32
        %lt3A_165 = arith.constant 0 : i32
        %lt3A_166 = arith.cmpi slt, %select_n3A_159, %lt3A_165 : i32
        %ne3A_167 = arith.xori %lt3A_164, %lt3A_166 : i1
        %and3A_168 = arith.andi %ne3A_167, %ne3A_162 : i1
        %add3A_169 = arith.addi %rem3A_160, %select_n3A_159 : i32
        %select_n3A_170 = arith.select %and3A_168, %add3A_169, %rem3A_160 : i32
        %mul3A_171 = arith.constant 1024 : i32
        %mul3A_172 = arith.muli %select_n3A_170, %mul3A_171 : i32
        %mul3A_173 = arith.constant 100096 : i32
        %mul3A_174 = arith.muli %select_n3A_154, %mul3A_173 : i32
        %add3A_175 = arith.addi %mul3A_174, %mul3A_172 : i32
        %mul3A_176 = arith.constant 16 : i32
        %mul3A_177 = arith.muli %add3A_175, %mul3A_176 : i32
        %dma_start3A_178 = tpu.memref_slice %arg5[%mul3A_177] : memref<41639936xf32, #tpu.memory_space<hbm>> -> memref<16384xf32, #tpu.memory_space<hbm>>
        %dma_start3A_179 = tpu.memref_slice %arg5[%mul3A_177] : memref<41639936xf32, #tpu.memory_space<hbm>> -> memref<16384xf32, #tpu.memory_space<hbm>>
        tpu.enqueue_dma source(%arg10 : memref<16384xf32, #tpu.memory_space<vmem>>) target(%dma_start3A_179 : memref<16384xf32, #tpu.memory_space<hbm>>) target_semaphore(%arg16 : memref<!tpu.dma_semaphore, #tpu.memory_space<semaphore_mem>>)
      } else {
      }
      %scan3A_101 = arith.constant 0 : i32
      scf.yield %scan3A_101 : i32
    }
    %scan3A_46 = arith.constant 79 : i32
    %dma_wait3A = arith.constant 0 : i32
    %dma_wait3A_47 = tpu.memref_slice %arg5[%dma_wait3A] : memref<41639936xf32, #tpu.memory_space<hbm>> -> memref<16384xf32, #tpu.memory_space<hbm>>
    %dma_wait3A_48 = arith.constant 0 : i32
    %dma_wait3A_49 = tpu.memref_slice %arg5[%dma_wait3A_48] : memref<41639936xf32, #tpu.memory_space<hbm>> -> memref<16384xf32, #tpu.memory_space<hbm>>
    tpu.wait_dma2 semaphore(%arg15 : memref<!tpu.dma_semaphore, #tpu.memory_space<semaphore_mem>>) src(%arg9 : memref<16384xf32, #tpu.memory_space<vmem>>) dst(%dma_wait3A_49 : memref<16384xf32, #tpu.memory_space<hbm>>)
    %dma_wait3A_50 = arith.constant 0 : i32
    %dma_wait3A_51 = tpu.memref_slice %arg5[%dma_wait3A_50] : memref<41639936xf32, #tpu.memory_space<hbm>> -> memref<16384xf32, #tpu.memory_space<hbm>>
    %dma_wait3A_52 = arith.constant 0 : i32
    %dma_wait3A_53 = tpu.memref_slice %arg5[%dma_wait3A_52] : memref<41639936xf32, #tpu.memory_space<hbm>> -> memref<16384xf32, #tpu.memory_space<hbm>>
    tpu.wait_dma2 semaphore(%arg16 : memref<!tpu.dma_semaphore, #tpu.memory_space<semaphore_mem>>) src(%arg9 : memref<16384xf32, #tpu.memory_space<vmem>>) dst(%dma_wait3A_53 : memref<16384xf32, #tpu.memory_space<hbm>>)
    %lt3A_54 = arith.constant 26 : i32
    %lt3A_55 = arith.cmpi slt, %add3A, %lt3A_54 : i32
    %convert_element_type3A = arith.extui %lt3A_55 : i1 to i32
    %cond3A = arith.constant 0 : i32
    %cond3A_56 = arith.cmpi ne, %convert_element_type3A, %cond3A : i32
    scf.if %cond3A_56 {
      %dma_start3A_57 = arith.constant 0 : i32
      %dma_start3A_58 = arith.constant 0 : i32
      %dma_start3A_59 = tpu.memref_slice %arg7[%dma_start3A_57, %dma_start3A_58] : memref<16x1024xf32, #tpu.memory_space<vmem>> -> memref<16x640xf32, #tpu.memory_space<vmem>>
      %dma_start3A_60 = arith.constant 0 : i32
      %dma_start3A_61 = arith.constant 99328 : i32
      %dma_start3A_62 = tpu.memref_slice %arg2[%add3A, %dma_start3A_60, %dma_start3A_61] : memref<26x16x100001xf32, #tpu.memory_space<hbm>> -> memref<1x16x640xf32, #tpu.memory_space<hbm>>
      %dma_start3A_63 = tpu.memref_squeeze %dma_start3A_62 : memref<1x16x640xf32, #tpu.memory_space<hbm>> -> memref<16x640xf32, #tpu.memory_space<hbm>>
      %dma_start3A_64 = arith.constant 0 : i32
      %dma_start3A_65 = arith.constant 0 : i32
      %dma_start3A_66 = tpu.memref_slice %arg7[%dma_start3A_64, %dma_start3A_65] : memref<16x1024xf32, #tpu.memory_space<vmem>> -> memref<16x640xf32, #tpu.memory_space<vmem>>
      %dma_start3A_67 = arith.constant 0 : i32
      %dma_start3A_68 = arith.constant 99328 : i32
      %dma_start3A_69 = tpu.memref_slice %arg2[%add3A, %dma_start3A_67, %dma_start3A_68] : memref<26x16x100001xf32, #tpu.memory_space<hbm>> -> memref<1x16x640xf32, #tpu.memory_space<hbm>>
      %dma_start3A_70 = tpu.memref_squeeze %dma_start3A_69 : memref<1x16x640xf32, #tpu.memory_space<hbm>> -> memref<16x640xf32, #tpu.memory_space<hbm>>
      tpu.enqueue_dma source(%dma_start3A_70 : memref<16x640xf32, #tpu.memory_space<hbm>>) target(%dma_start3A_66 : memref<16x640xf32, #tpu.memory_space<vmem>>) target_semaphore(%arg13 : memref<!tpu.dma_semaphore, #tpu.memory_space<semaphore_mem>>)
      %dma_wait3A_71 = arith.constant 0 : i32
      %dma_wait3A_72 = arith.constant 0 : i32
      %dma_wait3A_73 = arith.constant 0 : i32
      %dma_wait3A_74 = tpu.memref_slice %arg7[%dma_wait3A_72, %dma_wait3A_73] : memref<16x1024xf32, #tpu.memory_space<vmem>> -> memref<16x640xf32, #tpu.memory_space<vmem>>
      %dma_wait3A_75 = arith.constant 0 : i32
      %dma_wait3A_76 = arith.constant 0 : i32
      %dma_wait3A_77 = tpu.memref_slice %arg2[%dma_wait3A_71, %dma_wait3A_75, %dma_wait3A_76] : memref<26x16x100001xf32, #tpu.memory_space<hbm>> -> memref<1x16x640xf32, #tpu.memory_space<hbm>>
      %dma_wait3A_78 = tpu.memref_squeeze %dma_wait3A_77 : memref<1x16x640xf32, #tpu.memory_space<hbm>> -> memref<16x640xf32, #tpu.memory_space<hbm>>
      %dma_wait3A_79 = arith.constant 0 : i32
      %dma_wait3A_80 = arith.constant 0 : i32
      %dma_wait3A_81 = tpu.memref_slice %arg7[%dma_wait3A_79, %dma_wait3A_80] : memref<16x1024xf32, #tpu.memory_space<vmem>> -> memref<16x640xf32, #tpu.memory_space<vmem>>
      %dma_wait3A_82 = arith.constant 0 : i32
      %dma_wait3A_83 = arith.constant 0 : i32
      %dma_wait3A_84 = tpu.memref_slice %arg2[%dma_wait3A_71, %dma_wait3A_82, %dma_wait3A_83] : memref<26x16x100001xf32, #tpu.memory_space<hbm>> -> memref<1x16x640xf32, #tpu.memory_space<hbm>>
      %dma_wait3A_85 = tpu.memref_squeeze %dma_wait3A_84 : memref<1x16x640xf32, #tpu.memory_space<hbm>> -> memref<16x640xf32, #tpu.memory_space<hbm>>
      tpu.wait_dma2 semaphore(%arg13 : memref<!tpu.dma_semaphore, #tpu.memory_space<semaphore_mem>>) src(%dma_wait3A_85 : memref<16x640xf32, #tpu.memory_space<hbm>>) dst(%dma_wait3A_81 : memref<16x640xf32, #tpu.memory_space<vmem>>)
      %broadcast_in_dim3A = arith.constant 0 : i32
      %broadcast_in_dim3A_86 = vector.broadcast %broadcast_in_dim3A : i32 to vector<16xi32>
      %parallel_loop3A = arith.constant 0 : i32
      %parallel_loop3A_87 = arith.constant 640 : i32
      %parallel_loop3A_88 = arith.constant 1 : i32
      %parallel_loop3A_89 = scf.for %parallel_loop3A_148 = %parallel_loop3A to %parallel_loop3A_87 step %parallel_loop3A_88 iter_args(%parallel_loop3A_149 = %broadcast_in_dim3A_86) -> (vector<16xi32>)  : i32 {
        %parallel_loop3A_150 = tpu.vector_load_idx %arg7[%iota3A, %parallel_loop3A_149] : memref<16x1024xf32, #tpu.memory_space<vmem>>[vector<16xi32>, vector<16xi32>], vector<16xf32>,
        %parallel_loop3A_151 = arith.constant 16 : i32
        %parallel_loop3A_152 = arith.muli %parallel_loop3A_148, %parallel_loop3A_151 : i32
        %parallel_loop3A_153 = arith.index_cast %parallel_loop3A_152 : i32 to index
        %parallel_loop3A_154 = tpu.vector_load %arg9[%parallel_loop3A_153] {strides = array<i32>} : memref<16384xf32, #tpu.memory_space<vmem>>, vector<16xf32>,
        tpu.vector_store %arg9[%parallel_loop3A_153], %parallel_loop3A_150 {strides = array<i32>} : memref<16384xf32, #tpu.memory_space<vmem>>, vector<16xf32>,
        %parallel_loop3A_155 = arith.constant 1 : i32
        %parallel_loop3A_156 = vector.broadcast %parallel_loop3A_155 : i32 to vector<16xi32>
        %parallel_loop3A_157 = arith.addi %parallel_loop3A_149, %parallel_loop3A_156 : vector<16xi32>
        scf.yield %parallel_loop3A_157 : vector<16xi32>
      } {sc.loop_unroll_factor = 8 : i64, sc.parallel_access}
      %mul3A_90 = arith.constant 100096 : i32
      %mul3A_91 = arith.muli %add3A, %mul3A_90 : i32
      %add3A_92 = arith.constant 99328 : i32
      %add3A_93 = arith.addi %mul3A_91, %add3A_92 : i32
      %mul3A_94 = arith.constant 16 : i32
      %mul3A_95 = arith.muli %add3A_93, %mul3A_94 : i32
      %dma_start3A_96 = arith.constant 0 : i32
      %dma_start3A_97 = tpu.memref_slice %arg9[%dma_start3A_96] : memref<16384xf32, #tpu.memory_space<vmem>> -> memref<10240xf32, #tpu.memory_space<vmem>>
      %dma_start3A_98 = tpu.memref_slice %arg5[%mul3A_95] : memref<41639936xf32, #tpu.memory_space<hbm>> -> memref<10240xf32, #tpu.memory_space<hbm>>
      %dma_start3A_99 = tpu.memref_slice %arg5[%mul3A_95] : memref<41639936xf32, #tpu.memory_space<hbm>> -> memref<10240xf32, #tpu.memory_space<hbm>>
      %dma_start3A_100 = arith.constant 0 : i32
      %dma_start3A_101 = tpu.memref_slice %arg9[%dma_start3A_100] : memref<16384xf32, #tpu.memory_space<vmem>> -> memref<10240xf32, #tpu.memory_space<vmem>>
      tpu.enqueue_dma source(%dma_start3A_101 : memref<10240xf32, #tpu.memory_space<vmem>>) target(%dma_start3A_99 : memref<10240xf32, #tpu.memory_space<hbm>>) target_semaphore(%arg15 : memref<!tpu.dma_semaphore, #tpu.memory_space<semaphore_mem>>)
      %mul3A_102 = arith.constant 16 : i32
      %mul3A_103 = arith.muli %add3A, %mul3A_102 : i32
      "tpu.region"() ({
        %run_scoped3A = tpu.sem_alloc : memref<!tpu.dma_semaphore, #tpu.memory_space<semaphore_mem>>
        %dma_start3A_148 = arith.constant 0 : i32
        %dma_start3A_149 = tpu.memref_slice %arg3[%mul3A_103, %dma_start3A_148] : memref<416x128xf32, #tpu.memory_space<hbm>> -> memref<16x128xf32, #tpu.memory_space<hbm>>
        %dma_start3A_150 = arith.constant 0 : i32
        %dma_start3A_151 = tpu.memref_slice %arg3[%mul3A_103, %dma_start3A_150] : memref<416x128xf32, #tpu.memory_space<hbm>> -> memref<16x128xf32, #tpu.memory_space<hbm>>
        tpu.enqueue_dma source(%dma_start3A_151 : memref<16x128xf32, #tpu.memory_space<hbm>>) target(%arg12 : memref<16x128xf32, #tpu.memory_space<vmem>>) target_semaphore(%run_scoped3A : memref<!tpu.dma_semaphore, #tpu.memory_space<semaphore_mem>>)
        %dma_wait3A_152 = arith.constant 0 : i32
        %dma_wait3A_153 = tpu.memref_slice %arg3[%mul3A_103, %dma_wait3A_152] : memref<416x128xf32, #tpu.memory_space<hbm>> -> memref<16x128xf32, #tpu.memory_space<hbm>>
        %dma_wait3A_154 = arith.constant 0 : i32
        %dma_wait3A_155 = tpu.memref_slice %arg3[%mul3A_103, %dma_wait3A_154] : memref<416x128xf32, #tpu.memory_space<hbm>> -> memref<16x128xf32, #tpu.memory_space<hbm>>
        tpu.wait_dma2 semaphore(%run_scoped3A : memref<!tpu.dma_semaphore, #tpu.memory_space<semaphore_mem>>) src(%dma_wait3A_155 : memref<16x128xf32, #tpu.memory_space<hbm>>) dst(%arg12 : memref<16x128xf32, #tpu.memory_space<vmem>>)
        tpu.yield
      }) : () -> ()
      %scan3A_104 = arith.constant 0 : i32
      %scan3A_105 = arith.constant 0 : i32
      %scan3A_106 = arith.constant 128 : i32
      %scan3A_107 = arith.addi %scan3A_105, %scan3A_106 : i32
      %scan3A_108 = arith.constant 8 : i32
      %scan3A_109 = scf.for %scan3A_148 = %scan3A_105 to %scan3A_107 step %scan3A_108 iter_args(%scan3A_149 = %scan3A_104) -> (i32)  : i32 {
        %jit3A_150 = arith.constant 8 : i32
        %div3A_151 = arith.divsi %scan3A_148, %jit3A_150 : i32
        %sign3A_152 = arith.constant 0 : i32
        %sign3A_153 = arith.cmpi sgt, %scan3A_148, %sign3A_152 : i32
        %sign3A_154 = arith.extui %sign3A_153 : i1 to i32
        %sign3A_155 = arith.constant 0 : i32
        %sign3A_156 = arith.cmpi slt, %scan3A_148, %sign3A_155 : i32
        %sign3A_157 = arith.extui %sign3A_156 : i1 to i32
        %sign3A_158 = arith.subi %sign3A_154, %sign3A_157 : i32
        %sign3A_159 = arith.constant 0 : i32
        %sign3A_160 = arith.cmpi sgt, %jit3A_150, %sign3A_159 : i32
        %sign3A_161 = arith.extui %sign3A_160 : i1 to i32
        %sign3A_162 = arith.constant 0 : i32
        %sign3A_163 = arith.cmpi slt, %jit3A_150, %sign3A_162 : i32
        %sign3A_164 = arith.extui %sign3A_163 : i1 to i32
        %sign3A_165 = arith.subi %sign3A_161, %sign3A_164 : i32
        %ne3A_166 = arith.cmpi ne, %sign3A_158, %sign3A_165 : i32
        %rem3A_167 = arith.remsi %scan3A_148, %jit3A_150 : i32
        %ne3A_168 = arith.constant 0 : i32
        %ne3A_169 = arith.cmpi ne, %rem3A_167, %ne3A_168 : i32
        %and3A_170 = arith.andi %ne3A_166, %ne3A_169 : i1
        %sub3A_171 = arith.constant 1 : i32
        %sub3A_172 = arith.subi %div3A_151, %sub3A_171 : i32
        %select_n3A_173 = arith.select %and3A_170, %sub3A_172, %div3A_151 : i32
        %broadcast_in_dim3A_174 = vector.broadcast %select_n3A_173 : i32 to vector<16xi32>
        %jit3A_175 = arith.constant 8 : i32
        %eq3A_176 = arith.constant 0 : i32
        %eq3A_177 = arith.cmpi eq, %jit3A_175, %eq3A_176 : i32
        %jit3A_178 = arith.constant 1 : i32
        %select_n3A_179 = arith.select %eq3A_177, %jit3A_178, %jit3A_175 : i32
        %rem3A_180 = arith.remsi %scan3A_148, %select_n3A_179 : i32
        %ne3A_181 = arith.constant 0 : i32
        %ne3A_182 = arith.cmpi ne, %rem3A_180, %ne3A_181 : i32
        %lt3A_183 = arith.constant 0 : i32
        %lt3A_184 = arith.cmpi slt, %rem3A_180, %lt3A_183 : i32
        %lt3A_185 = arith.constant 0 : i32
        %lt3A_186 = arith.cmpi slt, %select_n3A_179, %lt3A_185 : i32
        %ne3A_187 = arith.xori %lt3A_184, %lt3A_186 : i1
        %and3A_188 = arith.andi %ne3A_187, %ne3A_182 : i1
        %add3A_189 = arith.addi %rem3A_180, %select_n3A_179 : i32
        %select_n3A_190 = arith.select %and3A_188, %add3A_189, %rem3A_180 : i32
        %mul3A_191 = arith.constant 16 : i32
        %mul3A_192 = arith.muli %select_n3A_190, %mul3A_191 : i32
        %add3A_193 = vector.broadcast %mul3A_192 : i32 to vector<16xi32>
        %add3A_194 = arith.addi %add3A_193, %iota3A : vector<16xi32>
        %gather3A = tpu.vector_load_idx %arg12[%broadcast_in_dim3A_174, %add3A_194] : memref<16x128xf32, #tpu.memory_space<vmem>>[vector<16xi32>, vector<16xi32>], vector<16xf32>,
        %mul3A_195 = arith.constant 16 : i32
        %mul3A_196 = arith.muli %scan3A_148, %mul3A_195 : i32
        %swap3A = arith.index_cast %mul3A_196 : i32 to index
        %swap3A_197 = tpu.vector_load %arg10[%swap3A] {strides = array<i32>} : memref<16384xf32, #tpu.memory_space<vmem>>, vector<16xf32>,
        tpu.vector_store %arg10[%swap3A], %gather3A {strides = array<i32>} : memref<16384xf32, #tpu.memory_space<vmem>>, vector<16xf32>,
        %scan3A_198 = arith.constant 0 : i32
        %scan3A_199 = arith.constant 1 : i32
        %scan3A_200 = arith.addi %scan3A_148, %scan3A_199 : i32
        %jit3A_201 = arith.constant 8 : i32
        %div3A_202 = arith.divsi %scan3A_200, %jit3A_201 : i32
        %sign3A_203 = arith.constant 0 : i32
        %sign3A_204 = arith.cmpi sgt, %scan3A_200, %sign3A_203 : i32
        %sign3A_205 = arith.extui %sign3A_204 : i1 to i32
        %sign3A_206 = arith.constant 0 : i32
        %sign3A_207 = arith.cmpi slt, %scan3A_200, %sign3A_206 : i32
        %sign3A_208 = arith.extui %sign3A_207 : i1 to i32
        %sign3A_209 = arith.subi %sign3A_205, %sign3A_208 : i32
        %sign3A_210 = arith.constant 0 : i32
        %sign3A_211 = arith.cmpi sgt, %jit3A_201, %sign3A_210 : i32
        %sign3A_212 = arith.extui %sign3A_211 : i1 to i32
        %sign3A_213 = arith.constant 0 : i32
        %sign3A_214 = arith.cmpi slt, %jit3A_201, %sign3A_213 : i32
        %sign3A_215 = arith.extui %sign3A_214 : i1 to i32
        %sign3A_216 = arith.subi %sign3A_212, %sign3A_215 : i32
        %ne3A_217 = arith.cmpi ne, %sign3A_209, %sign3A_216 : i32
        %rem3A_218 = arith.remsi %scan3A_200, %jit3A_201 : i32
        %ne3A_219 = arith.constant 0 : i32
        %ne3A_220 = arith.cmpi ne, %rem3A_218, %ne3A_219 : i32
        %and3A_221 = arith.andi %ne3A_217, %ne3A_220 : i1
        %sub3A_222 = arith.constant 1 : i32
        %sub3A_223 = arith.subi %div3A_202, %sub3A_222 : i32
        %select_n3A_224 = arith.select %and3A_221, %sub3A_223, %div3A_202 : i32
        %broadcast_in_dim3A_225 = vector.broadcast %select_n3A_224 : i32 to vector<16xi32>
        %jit3A_226 = arith.constant 8 : i32
        %eq3A_227 = arith.constant 0 : i32
        %eq3A_228 = arith.cmpi eq, %jit3A_226, %eq3A_227 : i32
        %jit3A_229 = arith.constant 1 : i32
        %select_n3A_230 = arith.select %eq3A_228, %jit3A_229, %jit3A_226 : i32
        %rem3A_231 = arith.remsi %scan3A_200, %select_n3A_230 : i32
        %ne3A_232 = arith.constant 0 : i32
        %ne3A_233 = arith.cmpi ne, %rem3A_231, %ne3A_232 : i32
        %lt3A_234 = arith.constant 0 : i32
        %lt3A_235 = arith.cmpi slt, %rem3A_231, %lt3A_234 : i32
        %lt3A_236 = arith.constant 0 : i32
        %lt3A_237 = arith.cmpi slt, %select_n3A_230, %lt3A_236 : i32
        %ne3A_238 = arith.xori %lt3A_235, %lt3A_237 : i1
        %and3A_239 = arith.andi %ne3A_238, %ne3A_233 : i1
        %add3A_240 = arith.addi %rem3A_231, %select_n3A_230 : i32
        %select_n3A_241 = arith.select %and3A_239, %add3A_240, %rem3A_231 : i32
        %mul3A_242 = arith.constant 16 : i32
        %mul3A_243 = arith.muli %select_n3A_241, %mul3A_242 : i32
        %add3A_244 = vector.broadcast %mul3A_243 : i32 to vector<16xi32>
        %add3A_245 = arith.addi %add3A_244, %iota3A : vector<16xi32>
        %gather3A_246 = tpu.vector_load_idx %arg12[%broadcast_in_dim3A_225, %add3A_245] : memref<16x128xf32, #tpu.memory_space<vmem>>[vector<16xi32>, vector<16xi32>], vector<16xf32>,
        %mul3A_247 = arith.constant 16 : i32
        %mul3A_248 = arith.muli %scan3A_200, %mul3A_247 : i32
        %swap3A_249 = arith.index_cast %mul3A_248 : i32 to index
        %swap3A_250 = tpu.vector_load %arg10[%swap3A_249] {strides = array<i32>} : memref<16384xf32, #tpu.memory_space<vmem>>, vector<16xf32>,
        tpu.vector_store %arg10[%swap3A_249], %gather3A_246 {strides = array<i32>} : memref<16384xf32, #tpu.memory_space<vmem>>, vector<16xf32>,
        %scan3A_251 = arith.constant 0 : i32
        %scan3A_252 = arith.constant 2 : i32
        %scan3A_253 = arith.addi %scan3A_148, %scan3A_252 : i32
        %jit3A_254 = arith.constant 8 : i32
        %div3A_255 = arith.divsi %scan3A_253, %jit3A_254 : i32
        %sign3A_256 = arith.constant 0 : i32
        %sign3A_257 = arith.cmpi sgt, %scan3A_253, %sign3A_256 : i32
        %sign3A_258 = arith.extui %sign3A_257 : i1 to i32
        %sign3A_259 = arith.constant 0 : i32
        %sign3A_260 = arith.cmpi slt, %scan3A_253, %sign3A_259 : i32
        %sign3A_261 = arith.extui %sign3A_260 : i1 to i32
        %sign3A_262 = arith.subi %sign3A_258, %sign3A_261 : i32
        %sign3A_263 = arith.constant 0 : i32
        %sign3A_264 = arith.cmpi sgt, %jit3A_254, %sign3A_263 : i32
        %sign3A_265 = arith.extui %sign3A_264 : i1 to i32
        %sign3A_266 = arith.constant 0 : i32
        %sign3A_267 = arith.cmpi slt, %jit3A_254, %sign3A_266 : i32
        %sign3A_268 = arith.extui %sign3A_267 : i1 to i32
        %sign3A_269 = arith.subi %sign3A_265, %sign3A_268 : i32
        %ne3A_270 = arith.cmpi ne, %sign3A_262, %sign3A_269 : i32
        %rem3A_271 = arith.remsi %scan3A_253, %jit3A_254 : i32
        %ne3A_272 = arith.constant 0 : i32
        %ne3A_273 = arith.cmpi ne, %rem3A_271, %ne3A_272 : i32
        %and3A_274 = arith.andi %ne3A_270, %ne3A_273 : i1
        %sub3A_275 = arith.constant 1 : i32
        %sub3A_276 = arith.subi %div3A_255, %sub3A_275 : i32
        %select_n3A_277 = arith.select %and3A_274, %sub3A_276, %div3A_255 : i32
        %broadcast_in_dim3A_278 = vector.broadcast %select_n3A_277 : i32 to vector<16xi32>
        %jit3A_279 = arith.constant 8 : i32
        %eq3A_280 = arith.constant 0 : i32
        %eq3A_281 = arith.cmpi eq, %jit3A_279, %eq3A_280 : i32
        %jit3A_282 = arith.constant 1 : i32
        %select_n3A_283 = arith.select %eq3A_281, %jit3A_282, %jit3A_279 : i32
        %rem3A_284 = arith.remsi %scan3A_253, %select_n3A_283 : i32
        %ne3A_285 = arith.constant 0 : i32
        %ne3A_286 = arith.cmpi ne, %rem3A_284, %ne3A_285 : i32
        %lt3A_287 = arith.constant 0 : i32
        %lt3A_288 = arith.cmpi slt, %rem3A_284, %lt3A_287 : i32
        %lt3A_289 = arith.constant 0 : i32
        %lt3A_290 = arith.cmpi slt, %select_n3A_283, %lt3A_289 : i32
        %ne3A_291 = arith.xori %lt3A_288, %lt3A_290 : i1
        %and3A_292 = arith.andi %ne3A_291, %ne3A_286 : i1
        %add3A_293 = arith.addi %rem3A_284, %select_n3A_283 : i32
        %select_n3A_294 = arith.select %and3A_292, %add3A_293, %rem3A_284 : i32
        %mul3A_295 = arith.constant 16 : i32
        %mul3A_296 = arith.muli %select_n3A_294, %mul3A_295 : i32
        %add3A_297 = vector.broadcast %mul3A_296 : i32 to vector<16xi32>
        %add3A_298 = arith.addi %add3A_297, %iota3A : vector<16xi32>
        %gather3A_299 = tpu.vector_load_idx %arg12[%broadcast_in_dim3A_278, %add3A_298] : memref<16x128xf32, #tpu.memory_space<vmem>>[vector<16xi32>, vector<16xi32>], vector<16xf32>,
        %mul3A_300 = arith.constant 16 : i32
        %mul3A_301 = arith.muli %scan3A_253, %mul3A_300 : i32
        %swap3A_302 = arith.index_cast %mul3A_301 : i32 to index
        %swap3A_303 = tpu.vector_load %arg10[%swap3A_302] {strides = array<i32>} : memref<16384xf32, #tpu.memory_space<vmem>>, vector<16xf32>,
        tpu.vector_store %arg10[%swap3A_302], %gather3A_299 {strides = array<i32>} : memref<16384xf32, #tpu.memory_space<vmem>>, vector<16xf32>,
        %scan3A_304 = arith.constant 0 : i32
        %scan3A_305 = arith.constant 3 : i32
        %scan3A_306 = arith.addi %scan3A_148, %scan3A_305 : i32
        %jit3A_307 = arith.constant 8 : i32
        %div3A_308 = arith.divsi %scan3A_306, %jit3A_307 : i32
        %sign3A_309 = arith.constant 0 : i32
        %sign3A_310 = arith.cmpi sgt, %scan3A_306, %sign3A_309 : i32
        %sign3A_311 = arith.extui %sign3A_310 : i1 to i32
        %sign3A_312 = arith.constant 0 : i32
        %sign3A_313 = arith.cmpi slt, %scan3A_306, %sign3A_312 : i32
        %sign3A_314 = arith.extui %sign3A_313 : i1 to i32
        %sign3A_315 = arith.subi %sign3A_311, %sign3A_314 : i32
        %sign3A_316 = arith.constant 0 : i32
        %sign3A_317 = arith.cmpi sgt, %jit3A_307, %sign3A_316 : i32
        %sign3A_318 = arith.extui %sign3A_317 : i1 to i32
        %sign3A_319 = arith.constant 0 : i32
        %sign3A_320 = arith.cmpi slt, %jit3A_307, %sign3A_319 : i32
        %sign3A_321 = arith.extui %sign3A_320 : i1 to i32
        %sign3A_322 = arith.subi %sign3A_318, %sign3A_321 : i32
        %ne3A_323 = arith.cmpi ne, %sign3A_315, %sign3A_322 : i32
        %rem3A_324 = arith.remsi %scan3A_306, %jit3A_307 : i32
        %ne3A_325 = arith.constant 0 : i32
        %ne3A_326 = arith.cmpi ne, %rem3A_324, %ne3A_325 : i32
        %and3A_327 = arith.andi %ne3A_323, %ne3A_326 : i1
        %sub3A_328 = arith.constant 1 : i32
        %sub3A_329 = arith.subi %div3A_308, %sub3A_328 : i32
        %select_n3A_330 = arith.select %and3A_327, %sub3A_329, %div3A_308 : i32
        %broadcast_in_dim3A_331 = vector.broadcast %select_n3A_330 : i32 to vector<16xi32>
        %jit3A_332 = arith.constant 8 : i32
        %eq3A_333 = arith.constant 0 : i32
        %eq3A_334 = arith.cmpi eq, %jit3A_332, %eq3A_333 : i32
        %jit3A_335 = arith.constant 1 : i32
        %select_n3A_336 = arith.select %eq3A_334, %jit3A_335, %jit3A_332 : i32
        %rem3A_337 = arith.remsi %scan3A_306, %select_n3A_336 : i32
        %ne3A_338 = arith.constant 0 : i32
        %ne3A_339 = arith.cmpi ne, %rem3A_337, %ne3A_338 : i32
        %lt3A_340 = arith.constant 0 : i32
        %lt3A_341 = arith.cmpi slt, %rem3A_337, %lt3A_340 : i32
        %lt3A_342 = arith.constant 0 : i32
        %lt3A_343 = arith.cmpi slt, %select_n3A_336, %lt3A_342 : i32
        %ne3A_344 = arith.xori %lt3A_341, %lt3A_343 : i1
        %and3A_345 = arith.andi %ne3A_344, %ne3A_339 : i1
        %add3A_346 = arith.addi %rem3A_337, %select_n3A_336 : i32
        %select_n3A_347 = arith.select %and3A_345, %add3A_346, %rem3A_337 : i32
        %mul3A_348 = arith.constant 16 : i32
        %mul3A_349 = arith.muli %select_n3A_347, %mul3A_348 : i32
        %add3A_350 = vector.broadcast %mul3A_349 : i32 to vector<16xi32>
        %add3A_351 = arith.addi %add3A_350, %iota3A : vector<16xi32>
        %gather3A_352 = tpu.vector_load_idx %arg12[%broadcast_in_dim3A_331, %add3A_351] : memref<16x128xf32, #tpu.memory_space<vmem>>[vector<16xi32>, vector<16xi32>], vector<16xf32>,
        %mul3A_353 = arith.constant 16 : i32
        %mul3A_354 = arith.muli %scan3A_306, %mul3A_353 : i32
        %swap3A_355 = arith.index_cast %mul3A_354 : i32 to index
        %swap3A_356 = tpu.vector_load %arg10[%swap3A_355] {strides = array<i32>} : memref<16384xf32, #tpu.memory_space<vmem>>, vector<16xf32>,
        tpu.vector_store %arg10[%swap3A_355], %gather3A_352 {strides = array<i32>} : memref<16384xf32, #tpu.memory_space<vmem>>, vector<16xf32>,
        %scan3A_357 = arith.constant 0 : i32
        %scan3A_358 = arith.constant 4 : i32
        %scan3A_359 = arith.addi %scan3A_148, %scan3A_358 : i32
        %jit3A_360 = arith.constant 8 : i32
        %div3A_361 = arith.divsi %scan3A_359, %jit3A_360 : i32
        %sign3A_362 = arith.constant 0 : i32
        %sign3A_363 = arith.cmpi sgt, %scan3A_359, %sign3A_362 : i32
        %sign3A_364 = arith.extui %sign3A_363 : i1 to i32
        %sign3A_365 = arith.constant 0 : i32
        %sign3A_366 = arith.cmpi slt, %scan3A_359, %sign3A_365 : i32
        %sign3A_367 = arith.extui %sign3A_366 : i1 to i32
        %sign3A_368 = arith.subi %sign3A_364, %sign3A_367 : i32
        %sign3A_369 = arith.constant 0 : i32
        %sign3A_370 = arith.cmpi sgt, %jit3A_360, %sign3A_369 : i32
        %sign3A_371 = arith.extui %sign3A_370 : i1 to i32
        %sign3A_372 = arith.constant 0 : i32
        %sign3A_373 = arith.cmpi slt, %jit3A_360, %sign3A_372 : i32
        %sign3A_374 = arith.extui %sign3A_373 : i1 to i32
        %sign3A_375 = arith.subi %sign3A_371, %sign3A_374 : i32
        %ne3A_376 = arith.cmpi ne, %sign3A_368, %sign3A_375 : i32
        %rem3A_377 = arith.remsi %scan3A_359, %jit3A_360 : i32
        %ne3A_378 = arith.constant 0 : i32
        %ne3A_379 = arith.cmpi ne, %rem3A_377, %ne3A_378 : i32
        %and3A_380 = arith.andi %ne3A_376, %ne3A_379 : i1
        %sub3A_381 = arith.constant 1 : i32
        %sub3A_382 = arith.subi %div3A_361, %sub3A_381 : i32
        %select_n3A_383 = arith.select %and3A_380, %sub3A_382, %div3A_361 : i32
        %broadcast_in_dim3A_384 = vector.broadcast %select_n3A_383 : i32 to vector<16xi32>
        %jit3A_385 = arith.constant 8 : i32
        %eq3A_386 = arith.constant 0 : i32
        %eq3A_387 = arith.cmpi eq, %jit3A_385, %eq3A_386 : i32
        %jit3A_388 = arith.constant 1 : i32
        %select_n3A_389 = arith.select %eq3A_387, %jit3A_388, %jit3A_385 : i32
        %rem3A_390 = arith.remsi %scan3A_359, %select_n3A_389 : i32
        %ne3A_391 = arith.constant 0 : i32
        %ne3A_392 = arith.cmpi ne, %rem3A_390, %ne3A_391 : i32
        %lt3A_393 = arith.constant 0 : i32
        %lt3A_394 = arith.cmpi slt, %rem3A_390, %lt3A_393 : i32
        %lt3A_395 = arith.constant 0 : i32
        %lt3A_396 = arith.cmpi slt, %select_n3A_389, %lt3A_395 : i32
        %ne3A_397 = arith.xori %lt3A_394, %lt3A_396 : i1
        %and3A_398 = arith.andi %ne3A_397, %ne3A_392 : i1
        %add3A_399 = arith.addi %rem3A_390, %select_n3A_389 : i32
        %select_n3A_400 = arith.select %and3A_398, %add3A_399, %rem3A_390 : i32
        %mul3A_401 = arith.constant 16 : i32
        %mul3A_402 = arith.muli %select_n3A_400, %mul3A_401 : i32
        %add3A_403 = vector.broadcast %mul3A_402 : i32 to vector<16xi32>
        %add3A_404 = arith.addi %add3A_403, %iota3A : vector<16xi32>
        %gather3A_405 = tpu.vector_load_idx %arg12[%broadcast_in_dim3A_384, %add3A_404] : memref<16x128xf32, #tpu.memory_space<vmem>>[vector<16xi32>, vector<16xi32>], vector<16xf32>,
        %mul3A_406 = arith.constant 16 : i32
        %mul3A_407 = arith.muli %scan3A_359, %mul3A_406 : i32
        %swap3A_408 = arith.index_cast %mul3A_407 : i32 to index
        %swap3A_409 = tpu.vector_load %arg10[%swap3A_408] {strides = array<i32>} : memref<16384xf32, #tpu.memory_space<vmem>>, vector<16xf32>,
        tpu.vector_store %arg10[%swap3A_408], %gather3A_405 {strides = array<i32>} : memref<16384xf32, #tpu.memory_space<vmem>>, vector<16xf32>,
        %scan3A_410 = arith.constant 0 : i32
        %scan3A_411 = arith.constant 5 : i32
        %scan3A_412 = arith.addi %scan3A_148, %scan3A_411 : i32
        %jit3A_413 = arith.constant 8 : i32
        %div3A_414 = arith.divsi %scan3A_412, %jit3A_413 : i32
        %sign3A_415 = arith.constant 0 : i32
        %sign3A_416 = arith.cmpi sgt, %scan3A_412, %sign3A_415 : i32
        %sign3A_417 = arith.extui %sign3A_416 : i1 to i32
        %sign3A_418 = arith.constant 0 : i32
        %sign3A_419 = arith.cmpi slt, %scan3A_412, %sign3A_418 : i32
        %sign3A_420 = arith.extui %sign3A_419 : i1 to i32
        %sign3A_421 = arith.subi %sign3A_417, %sign3A_420 : i32
        %sign3A_422 = arith.constant 0 : i32
        %sign3A_423 = arith.cmpi sgt, %jit3A_413, %sign3A_422 : i32
        %sign3A_424 = arith.extui %sign3A_423 : i1 to i32
        %sign3A_425 = arith.constant 0 : i32
        %sign3A_426 = arith.cmpi slt, %jit3A_413, %sign3A_425 : i32
        %sign3A_427 = arith.extui %sign3A_426 : i1 to i32
        %sign3A_428 = arith.subi %sign3A_424, %sign3A_427 : i32
        %ne3A_429 = arith.cmpi ne, %sign3A_421, %sign3A_428 : i32
        %rem3A_430 = arith.remsi %scan3A_412, %jit3A_413 : i32
        %ne3A_431 = arith.constant 0 : i32
        %ne3A_432 = arith.cmpi ne, %rem3A_430, %ne3A_431 : i32
        %and3A_433 = arith.andi %ne3A_429, %ne3A_432 : i1
        %sub3A_434 = arith.constant 1 : i32
        %sub3A_435 = arith.subi %div3A_414, %sub3A_434 : i32
        %select_n3A_436 = arith.select %and3A_433, %sub3A_435, %div3A_414 : i32
        %broadcast_in_dim3A_437 = vector.broadcast %select_n3A_436 : i32 to vector<16xi32>
        %jit3A_438 = arith.constant 8 : i32
        %eq3A_439 = arith.constant 0 : i32
        %eq3A_440 = arith.cmpi eq, %jit3A_438, %eq3A_439 : i32
        %jit3A_441 = arith.constant 1 : i32
        %select_n3A_442 = arith.select %eq3A_440, %jit3A_441, %jit3A_438 : i32
        %rem3A_443 = arith.remsi %scan3A_412, %select_n3A_442 : i32
        %ne3A_444 = arith.constant 0 : i32
        %ne3A_445 = arith.cmpi ne, %rem3A_443, %ne3A_444 : i32
        %lt3A_446 = arith.constant 0 : i32
        %lt3A_447 = arith.cmpi slt, %rem3A_443, %lt3A_446 : i32
        %lt3A_448 = arith.constant 0 : i32
        %lt3A_449 = arith.cmpi slt, %select_n3A_442, %lt3A_448 : i32
        %ne3A_450 = arith.xori %lt3A_447, %lt3A_449 : i1
        %and3A_451 = arith.andi %ne3A_450, %ne3A_445 : i1
        %add3A_452 = arith.addi %rem3A_443, %select_n3A_442 : i32
        %select_n3A_453 = arith.select %and3A_451, %add3A_452, %rem3A_443 : i32
        %mul3A_454 = arith.constant 16 : i32
        %mul3A_455 = arith.muli %select_n3A_453, %mul3A_454 : i32
        %add3A_456 = vector.broadcast %mul3A_455 : i32 to vector<16xi32>
        %add3A_457 = arith.addi %add3A_456, %iota3A : vector<16xi32>
        %gather3A_458 = tpu.vector_load_idx %arg12[%broadcast_in_dim3A_437, %add3A_457] : memref<16x128xf32, #tpu.memory_space<vmem>>[vector<16xi32>, vector<16xi32>], vector<16xf32>,
        %mul3A_459 = arith.constant 16 : i32
        %mul3A_460 = arith.muli %scan3A_412, %mul3A_459 : i32
        %swap3A_461 = arith.index_cast %mul3A_460 : i32 to index
        %swap3A_462 = tpu.vector_load %arg10[%swap3A_461] {strides = array<i32>} : memref<16384xf32, #tpu.memory_space<vmem>>, vector<16xf32>,
        tpu.vector_store %arg10[%swap3A_461], %gather3A_458 {strides = array<i32>} : memref<16384xf32, #tpu.memory_space<vmem>>, vector<16xf32>,
        %scan3A_463 = arith.constant 0 : i32
        %scan3A_464 = arith.constant 6 : i32
        %scan3A_465 = arith.addi %scan3A_148, %scan3A_464 : i32
        %jit3A_466 = arith.constant 8 : i32
        %div3A_467 = arith.divsi %scan3A_465, %jit3A_466 : i32
        %sign3A_468 = arith.constant 0 : i32
        %sign3A_469 = arith.cmpi sgt, %scan3A_465, %sign3A_468 : i32
        %sign3A_470 = arith.extui %sign3A_469 : i1 to i32
        %sign3A_471 = arith.constant 0 : i32
        %sign3A_472 = arith.cmpi slt, %scan3A_465, %sign3A_471 : i32
        %sign3A_473 = arith.extui %sign3A_472 : i1 to i32
        %sign3A_474 = arith.subi %sign3A_470, %sign3A_473 : i32
        %sign3A_475 = arith.constant 0 : i32
        %sign3A_476 = arith.cmpi sgt, %jit3A_466, %sign3A_475 : i32
        %sign3A_477 = arith.extui %sign3A_476 : i1 to i32
        %sign3A_478 = arith.constant 0 : i32
        %sign3A_479 = arith.cmpi slt, %jit3A_466, %sign3A_478 : i32
        %sign3A_480 = arith.extui %sign3A_479 : i1 to i32
        %sign3A_481 = arith.subi %sign3A_477, %sign3A_480 : i32
        %ne3A_482 = arith.cmpi ne, %sign3A_474, %sign3A_481 : i32
        %rem3A_483 = arith.remsi %scan3A_465, %jit3A_466 : i32
        %ne3A_484 = arith.constant 0 : i32
        %ne3A_485 = arith.cmpi ne, %rem3A_483, %ne3A_484 : i32
        %and3A_486 = arith.andi %ne3A_482, %ne3A_485 : i1
        %sub3A_487 = arith.constant 1 : i32
        %sub3A_488 = arith.subi %div3A_467, %sub3A_487 : i32
        %select_n3A_489 = arith.select %and3A_486, %sub3A_488, %div3A_467 : i32
        %broadcast_in_dim3A_490 = vector.broadcast %select_n3A_489 : i32 to vector<16xi32>
        %jit3A_491 = arith.constant 8 : i32
        %eq3A_492 = arith.constant 0 : i32
        %eq3A_493 = arith.cmpi eq, %jit3A_491, %eq3A_492 : i32
        %jit3A_494 = arith.constant 1 : i32
        %select_n3A_495 = arith.select %eq3A_493, %jit3A_494, %jit3A_491 : i32
        %rem3A_496 = arith.remsi %scan3A_465, %select_n3A_495 : i32
        %ne3A_497 = arith.constant 0 : i32
        %ne3A_498 = arith.cmpi ne, %rem3A_496, %ne3A_497 : i32
        %lt3A_499 = arith.constant 0 : i32
        %lt3A_500 = arith.cmpi slt, %rem3A_496, %lt3A_499 : i32
        %lt3A_501 = arith.constant 0 : i32
        %lt3A_502 = arith.cmpi slt, %select_n3A_495, %lt3A_501 : i32
        %ne3A_503 = arith.xori %lt3A_500, %lt3A_502 : i1
        %and3A_504 = arith.andi %ne3A_503, %ne3A_498 : i1
        %add3A_505 = arith.addi %rem3A_496, %select_n3A_495 : i32
        %select_n3A_506 = arith.select %and3A_504, %add3A_505, %rem3A_496 : i32
        %mul3A_507 = arith.constant 16 : i32
        %mul3A_508 = arith.muli %select_n3A_506, %mul3A_507 : i32
        %add3A_509 = vector.broadcast %mul3A_508 : i32 to vector<16xi32>
        %add3A_510 = arith.addi %add3A_509, %iota3A : vector<16xi32>
        %gather3A_511 = tpu.vector_load_idx %arg12[%broadcast_in_dim3A_490, %add3A_510] : memref<16x128xf32, #tpu.memory_space<vmem>>[vector<16xi32>, vector<16xi32>], vector<16xf32>,
        %mul3A_512 = arith.constant 16 : i32
        %mul3A_513 = arith.muli %scan3A_465, %mul3A_512 : i32
        %swap3A_514 = arith.index_cast %mul3A_513 : i32 to index
        %swap3A_515 = tpu.vector_load %arg10[%swap3A_514] {strides = array<i32>} : memref<16384xf32, #tpu.memory_space<vmem>>, vector<16xf32>,
        tpu.vector_store %arg10[%swap3A_514], %gather3A_511 {strides = array<i32>} : memref<16384xf32, #tpu.memory_space<vmem>>, vector<16xf32>,
        %scan3A_516 = arith.constant 0 : i32
        %scan3A_517 = arith.constant 7 : i32
        %scan3A_518 = arith.addi %scan3A_148, %scan3A_517 : i32
        %jit3A_519 = arith.constant 8 : i32
        %div3A_520 = arith.divsi %scan3A_518, %jit3A_519 : i32
        %sign3A_521 = arith.constant 0 : i32
        %sign3A_522 = arith.cmpi sgt, %scan3A_518, %sign3A_521 : i32
        %sign3A_523 = arith.extui %sign3A_522 : i1 to i32
        %sign3A_524 = arith.constant 0 : i32
        %sign3A_525 = arith.cmpi slt, %scan3A_518, %sign3A_524 : i32
        %sign3A_526 = arith.extui %sign3A_525 : i1 to i32
        %sign3A_527 = arith.subi %sign3A_523, %sign3A_526 : i32
        %sign3A_528 = arith.constant 0 : i32
        %sign3A_529 = arith.cmpi sgt, %jit3A_519, %sign3A_528 : i32
        %sign3A_530 = arith.extui %sign3A_529 : i1 to i32
        %sign3A_531 = arith.constant 0 : i32
        %sign3A_532 = arith.cmpi slt, %jit3A_519, %sign3A_531 : i32
        %sign3A_533 = arith.extui %sign3A_532 : i1 to i32
        %sign3A_534 = arith.subi %sign3A_530, %sign3A_533 : i32
        %ne3A_535 = arith.cmpi ne, %sign3A_527, %sign3A_534 : i32
        %rem3A_536 = arith.remsi %scan3A_518, %jit3A_519 : i32
        %ne3A_537 = arith.constant 0 : i32
        %ne3A_538 = arith.cmpi ne, %rem3A_536, %ne3A_537 : i32
        %and3A_539 = arith.andi %ne3A_535, %ne3A_538 : i1
        %sub3A_540 = arith.constant 1 : i32
        %sub3A_541 = arith.subi %div3A_520, %sub3A_540 : i32
        %select_n3A_542 = arith.select %and3A_539, %sub3A_541, %div3A_520 : i32
        %broadcast_in_dim3A_543 = vector.broadcast %select_n3A_542 : i32 to vector<16xi32>
        %jit3A_544 = arith.constant 8 : i32
        %eq3A_545 = arith.constant 0 : i32
        %eq3A_546 = arith.cmpi eq, %jit3A_544, %eq3A_545 : i32
        %jit3A_547 = arith.constant 1 : i32
        %select_n3A_548 = arith.select %eq3A_546, %jit3A_547, %jit3A_544 : i32
        %rem3A_549 = arith.remsi %scan3A_518, %select_n3A_548 : i32
        %ne3A_550 = arith.constant 0 : i32
        %ne3A_551 = arith.cmpi ne, %rem3A_549, %ne3A_550 : i32
        %lt3A_552 = arith.constant 0 : i32
        %lt3A_553 = arith.cmpi slt, %rem3A_549, %lt3A_552 : i32
        %lt3A_554 = arith.constant 0 : i32
        %lt3A_555 = arith.cmpi slt, %select_n3A_548, %lt3A_554 : i32
        %ne3A_556 = arith.xori %lt3A_553, %lt3A_555 : i1
        %and3A_557 = arith.andi %ne3A_556, %ne3A_551 : i1
        %add3A_558 = arith.addi %rem3A_549, %select_n3A_548 : i32
        %select_n3A_559 = arith.select %and3A_557, %add3A_558, %rem3A_549 : i32
        %mul3A_560 = arith.constant 16 : i32
        %mul3A_561 = arith.muli %select_n3A_559, %mul3A_560 : i32
        %add3A_562 = vector.broadcast %mul3A_561 : i32 to vector<16xi32>
        %add3A_563 = arith.addi %add3A_562, %iota3A : vector<16xi32>
        %gather3A_564 = tpu.vector_load_idx %arg12[%broadcast_in_dim3A_543, %add3A_563] : memref<16x128xf32, #tpu.memory_space<vmem>>[vector<16xi32>, vector<16xi32>], vector<16xf32>,
        %mul3A_565 = arith.constant 16 : i32
        %mul3A_566 = arith.muli %scan3A_518, %mul3A_565 : i32
        %swap3A_567 = arith.index_cast %mul3A_566 : i32 to index
        %swap3A_568 = tpu.vector_load %arg10[%swap3A_567] {strides = array<i32>} : memref<16384xf32, #tpu.memory_space<vmem>>, vector<16xf32>,
        tpu.vector_store %arg10[%swap3A_567], %gather3A_564 {strides = array<i32>} : memref<16384xf32, #tpu.memory_space<vmem>>, vector<16xf32>,
        %scan3A_569 = arith.constant 0 : i32
        scf.yield %scan3A_569 : i32
      }
      %scan3A_110 = arith.constant 128 : i32
      %mul3A_111 = arith.constant 100096 : i32
      %mul3A_112 = arith.muli %add3A, %mul3A_111 : i32
      %add3A_113 = arith.constant 99968 : i32
      %add3A_114 = arith.addi %mul3A_112, %add3A_113 : i32
      %mul3A_115 = arith.constant 16 : i32
      %mul3A_116 = arith.muli %add3A_114, %mul3A_115 : i32
      %dma_start3A_117 = arith.constant 0 : i32
      %dma_start3A_118 = tpu.memref_slice %arg10[%dma_start3A_117] : memref<16384xf32, #tpu.memory_space<vmem>> -> memref<2048xf32, #tpu.memory_space<vmem>>
      %dma_start3A_119 = tpu.memref_slice %arg5[%mul3A_116] : memref<41639936xf32, #tpu.memory_space<hbm>> -> memref<2048xf32, #tpu.memory_space<hbm>>
      %dma_start3A_120 = tpu.memref_slice %arg5[%mul3A_116] : memref<41639936xf32, #tpu.memory_space<hbm>> -> memref<2048xf32, #tpu.memory_space<hbm>>
      %dma_start3A_121 = arith.constant 0 : i32
      %dma_start3A_122 = tpu.memref_slice %arg10[%dma_start3A_121] : memref<16384xf32, #tpu.memory_space<vmem>> -> memref<2048xf32, #tpu.memory_space<vmem>>
      tpu.enqueue_dma source(%dma_start3A_122 : memref<2048xf32, #tpu.memory_space<vmem>>) target(%dma_start3A_120 : memref<2048xf32, #tpu.memory_space<hbm>>) target_semaphore(%arg16 : memref<!tpu.dma_semaphore, #tpu.memory_space<semaphore_mem>>)
      "tpu.region"() ({
        %run_scoped3A = tpu.sem_alloc : memref<!tpu.dma_semaphore, #tpu.memory_space<semaphore_mem>>
        %dma_start3A_148 = arith.constant 0 : i32
        %dma_start3A_149 = tpu.memref_slice %arg4[%add3A, %dma_start3A_148] : memref<26x16384xi32, #tpu.memory_space<hbm>> -> memref<1x16384xi32, #tpu.memory_space<hbm>>
        %dma_start3A_150 = tpu.memref_squeeze %dma_start3A_149 : memref<1x16384xi32, #tpu.memory_space<hbm>> -> memref<16384xi32, #tpu.memory_space<hbm>>
        %dma_start3A_151 = arith.constant 0 : i32
        %dma_start3A_152 = tpu.memref_slice %arg4[%add3A, %dma_start3A_151] : memref<26x16384xi32, #tpu.memory_space<hbm>> -> memref<1x16384xi32, #tpu.memory_space<hbm>>
        %dma_start3A_153 = tpu.memref_squeeze %dma_start3A_152 : memref<1x16384xi32, #tpu.memory_space<hbm>> -> memref<16384xi32, #tpu.memory_space<hbm>>
        tpu.enqueue_dma source(%dma_start3A_153 : memref<16384xi32, #tpu.memory_space<hbm>>) target(%arg11 : memref<16384xi32, #tpu.memory_space<vmem>>) target_semaphore(%run_scoped3A : memref<!tpu.dma_semaphore, #tpu.memory_space<semaphore_mem>>)
        %dma_wait3A_154 = arith.constant 0 : i32
        %dma_wait3A_155 = tpu.memref_slice %arg4[%add3A, %dma_wait3A_154] : memref<26x16384xi32, #tpu.memory_space<hbm>> -> memref<1x16384xi32, #tpu.memory_space<hbm>>
        %dma_wait3A_156 = tpu.memref_squeeze %dma_wait3A_155 : memref<1x16384xi32, #tpu.memory_space<hbm>> -> memref<16384xi32, #tpu.memory_space<hbm>>
        %dma_wait3A_157 = arith.constant 0 : i32
        %dma_wait3A_158 = tpu.memref_slice %arg4[%add3A, %dma_wait3A_157] : memref<26x16384xi32, #tpu.memory_space<hbm>> -> memref<1x16384xi32, #tpu.memory_space<hbm>>
        %dma_wait3A_159 = tpu.memref_squeeze %dma_wait3A_158 : memref<1x16384xi32, #tpu.memory_space<hbm>> -> memref<16384xi32, #tpu.memory_space<hbm>>
        tpu.wait_dma2 semaphore(%run_scoped3A : memref<!tpu.dma_semaphore, #tpu.memory_space<semaphore_mem>>) src(%dma_wait3A_159 : memref<16384xi32, #tpu.memory_space<hbm>>) dst(%arg11 : memref<16384xi32, #tpu.memory_space<vmem>>)
        tpu.yield
      }) : () -> ()
      %scan3A_123 = arith.constant 0 : i32
      %scan3A_124 = arith.constant 0 : i32
      %scan3A_125 = arith.constant 1024 : i32
      %scan3A_126 = arith.addi %scan3A_124, %scan3A_125 : i32
      %scan3A_127 = arith.constant 8 : i32
      %scan3A_128 = scf.for %scan3A_148 = %scan3A_124 to %scan3A_126 step %scan3A_127 iter_args(%scan3A_149 = %scan3A_123) -> (i32)  : i32 {
        %mul3A_150 = arith.constant 16 : i32
        %mul3A_151 = arith.muli %scan3A_148, %mul3A_150 : i32
        %get3A = arith.index_cast %mul3A_151 : i32 to index
        %get3A_152 = tpu.vector_load %arg11[%get3A] {strides = array<i32>} : memref<16384xi32, #tpu.memory_space<vmem>>, vector<16xi32>,
        %mul3A_153 = arith.constant 100096 : i32
        %mul3A_154 = arith.muli %add3A, %mul3A_153 : i32
        %add3A_155 = vector.broadcast %mul3A_154 : i32 to vector<16xi32>
        %add3A_156 = arith.addi %get3A_152, %add3A_155 : vector<16xi32>
        %mul3A_157 = arith.constant 16 : i32
        %mul3A_158 = arith.muli %scan3A_148, %mul3A_157 : i32
        %swap3A = arith.index_cast %mul3A_158 : i32 to index
        %swap3A_159 = tpu.vector_load %arg11[%swap3A] {strides = array<i32>} : memref<16384xi32, #tpu.memory_space<vmem>>, vector<16xi32>,
        tpu.vector_store %arg11[%swap3A], %add3A_156 {strides = array<i32>} : memref<16384xi32, #tpu.memory_space<vmem>>, vector<16xi32>,
        %scan3A_160 = arith.constant 0 : i32
        %scan3A_161 = arith.constant 1 : i32
        %scan3A_162 = arith.addi %scan3A_148, %scan3A_161 : i32
        %mul3A_163 = arith.constant 16 : i32
        %mul3A_164 = arith.muli %scan3A_162, %mul3A_163 : i32
        %get3A_165 = arith.index_cast %mul3A_164 : i32 to index
        %get3A_166 = tpu.vector_load %arg11[%get3A_165] {strides = array<i32>} : memref<16384xi32, #tpu.memory_space<vmem>>, vector<16xi32>,
        %mul3A_167 = arith.constant 100096 : i32
        %mul3A_168 = arith.muli %add3A, %mul3A_167 : i32
        %add3A_169 = vector.broadcast %mul3A_168 : i32 to vector<16xi32>
        %add3A_170 = arith.addi %get3A_166, %add3A_169 : vector<16xi32>
        %mul3A_171 = arith.constant 16 : i32
        %mul3A_172 = arith.muli %scan3A_162, %mul3A_171 : i32
        %swap3A_173 = arith.index_cast %mul3A_172 : i32 to index
        %swap3A_174 = tpu.vector_load %arg11[%swap3A_173] {strides = array<i32>} : memref<16384xi32, #tpu.memory_space<vmem>>, vector<16xi32>,
        tpu.vector_store %arg11[%swap3A_173], %add3A_170 {strides = array<i32>} : memref<16384xi32, #tpu.memory_space<vmem>>, vector<16xi32>,
        %scan3A_175 = arith.constant 0 : i32
        %scan3A_176 = arith.constant 2 : i32
        %scan3A_177 = arith.addi %scan3A_148, %scan3A_176 : i32
        %mul3A_178 = arith.constant 16 : i32
        %mul3A_179 = arith.muli %scan3A_177, %mul3A_178 : i32
        %get3A_180 = arith.index_cast %mul3A_179 : i32 to index
        %get3A_181 = tpu.vector_load %arg11[%get3A_180] {strides = array<i32>} : memref<16384xi32, #tpu.memory_space<vmem>>, vector<16xi32>,
        %mul3A_182 = arith.constant 100096 : i32
        %mul3A_183 = arith.muli %add3A, %mul3A_182 : i32
        %add3A_184 = vector.broadcast %mul3A_183 : i32 to vector<16xi32>
        %add3A_185 = arith.addi %get3A_181, %add3A_184 : vector<16xi32>
        %mul3A_186 = arith.constant 16 : i32
        %mul3A_187 = arith.muli %scan3A_177, %mul3A_186 : i32
        %swap3A_188 = arith.index_cast %mul3A_187 : i32 to index
        %swap3A_189 = tpu.vector_load %arg11[%swap3A_188] {strides = array<i32>} : memref<16384xi32, #tpu.memory_space<vmem>>, vector<16xi32>,
        tpu.vector_store %arg11[%swap3A_188], %add3A_185 {strides = array<i32>} : memref<16384xi32, #tpu.memory_space<vmem>>, vector<16xi32>,
        %scan3A_190 = arith.constant 0 : i32
        %scan3A_191 = arith.constant 3 : i32
        %scan3A_192 = arith.addi %scan3A_148, %scan3A_191 : i32
        %mul3A_193 = arith.constant 16 : i32
        %mul3A_194 = arith.muli %scan3A_192, %mul3A_193 : i32
        %get3A_195 = arith.index_cast %mul3A_194 : i32 to index
        %get3A_196 = tpu.vector_load %arg11[%get3A_195] {strides = array<i32>} : memref<16384xi32, #tpu.memory_space<vmem>>, vector<16xi32>,
        %mul3A_197 = arith.constant 100096 : i32
        %mul3A_198 = arith.muli %add3A, %mul3A_197 : i32
        %add3A_199 = vector.broadcast %mul3A_198 : i32 to vector<16xi32>
        %add3A_200 = arith.addi %get3A_196, %add3A_199 : vector<16xi32>
        %mul3A_201 = arith.constant 16 : i32
        %mul3A_202 = arith.muli %scan3A_192, %mul3A_201 : i32
        %swap3A_203 = arith.index_cast %mul3A_202 : i32 to index
        %swap3A_204 = tpu.vector_load %arg11[%swap3A_203] {strides = array<i32>} : memref<16384xi32, #tpu.memory_space<vmem>>, vector<16xi32>,
        tpu.vector_store %arg11[%swap3A_203], %add3A_200 {strides = array<i32>} : memref<16384xi32, #tpu.memory_space<vmem>>, vector<16xi32>,
        %scan3A_205 = arith.constant 0 : i32
        %scan3A_206 = arith.constant 4 : i32
        %scan3A_207 = arith.addi %scan3A_148, %scan3A_206 : i32
        %mul3A_208 = arith.constant 16 : i32
        %mul3A_209 = arith.muli %scan3A_207, %mul3A_208 : i32
        %get3A_210 = arith.index_cast %mul3A_209 : i32 to index
        %get3A_211 = tpu.vector_load %arg11[%get3A_210] {strides = array<i32>} : memref<16384xi32, #tpu.memory_space<vmem>>, vector<16xi32>,
        %mul3A_212 = arith.constant 100096 : i32
        %mul3A_213 = arith.muli %add3A, %mul3A_212 : i32
        %add3A_214 = vector.broadcast %mul3A_213 : i32 to vector<16xi32>
        %add3A_215 = arith.addi %get3A_211, %add3A_214 : vector<16xi32>
        %mul3A_216 = arith.constant 16 : i32
        %mul3A_217 = arith.muli %scan3A_207, %mul3A_216 : i32
        %swap3A_218 = arith.index_cast %mul3A_217 : i32 to index
        %swap3A_219 = tpu.vector_load %arg11[%swap3A_218] {strides = array<i32>} : memref<16384xi32, #tpu.memory_space<vmem>>, vector<16xi32>,
        tpu.vector_store %arg11[%swap3A_218], %add3A_215 {strides = array<i32>} : memref<16384xi32, #tpu.memory_space<vmem>>, vector<16xi32>,
        %scan3A_220 = arith.constant 0 : i32
        %scan3A_221 = arith.constant 5 : i32
        %scan3A_222 = arith.addi %scan3A_148, %scan3A_221 : i32
        %mul3A_223 = arith.constant 16 : i32
        %mul3A_224 = arith.muli %scan3A_222, %mul3A_223 : i32
        %get3A_225 = arith.index_cast %mul3A_224 : i32 to index
        %get3A_226 = tpu.vector_load %arg11[%get3A_225] {strides = array<i32>} : memref<16384xi32, #tpu.memory_space<vmem>>, vector<16xi32>,
        %mul3A_227 = arith.constant 100096 : i32
        %mul3A_228 = arith.muli %add3A, %mul3A_227 : i32
        %add3A_229 = vector.broadcast %mul3A_228 : i32 to vector<16xi32>
        %add3A_230 = arith.addi %get3A_226, %add3A_229 : vector<16xi32>
        %mul3A_231 = arith.constant 16 : i32
        %mul3A_232 = arith.muli %scan3A_222, %mul3A_231 : i32
        %swap3A_233 = arith.index_cast %mul3A_232 : i32 to index
        %swap3A_234 = tpu.vector_load %arg11[%swap3A_233] {strides = array<i32>} : memref<16384xi32, #tpu.memory_space<vmem>>, vector<16xi32>,
        tpu.vector_store %arg11[%swap3A_233], %add3A_230 {strides = array<i32>} : memref<16384xi32, #tpu.memory_space<vmem>>, vector<16xi32>,
        %scan3A_235 = arith.constant 0 : i32
        %scan3A_236 = arith.constant 6 : i32
        %scan3A_237 = arith.addi %scan3A_148, %scan3A_236 : i32
        %mul3A_238 = arith.constant 16 : i32
        %mul3A_239 = arith.muli %scan3A_237, %mul3A_238 : i32
        %get3A_240 = arith.index_cast %mul3A_239 : i32 to index
        %get3A_241 = tpu.vector_load %arg11[%get3A_240] {strides = array<i32>} : memref<16384xi32, #tpu.memory_space<vmem>>, vector<16xi32>,
        %mul3A_242 = arith.constant 100096 : i32
        %mul3A_243 = arith.muli %add3A, %mul3A_242 : i32
        %add3A_244 = vector.broadcast %mul3A_243 : i32 to vector<16xi32>
        %add3A_245 = arith.addi %get3A_241, %add3A_244 : vector<16xi32>
        %mul3A_246 = arith.constant 16 : i32
        %mul3A_247 = arith.muli %scan3A_237, %mul3A_246 : i32
        %swap3A_248 = arith.index_cast %mul3A_247 : i32 to index
        %swap3A_249 = tpu.vector_load %arg11[%swap3A_248] {strides = array<i32>} : memref<16384xi32, #tpu.memory_space<vmem>>, vector<16xi32>,
        tpu.vector_store %arg11[%swap3A_248], %add3A_245 {strides = array<i32>} : memref<16384xi32, #tpu.memory_space<vmem>>, vector<16xi32>,
        %scan3A_250 = arith.constant 0 : i32
        %scan3A_251 = arith.constant 7 : i32
        %scan3A_252 = arith.addi %scan3A_148, %scan3A_251 : i32
        %mul3A_253 = arith.constant 16 : i32
        %mul3A_254 = arith.muli %scan3A_252, %mul3A_253 : i32
        %get3A_255 = arith.index_cast %mul3A_254 : i32 to index
        %get3A_256 = tpu.vector_load %arg11[%get3A_255] {strides = array<i32>} : memref<16384xi32, #tpu.memory_space<vmem>>, vector<16xi32>,
        %mul3A_257 = arith.constant 100096 : i32
        %mul3A_258 = arith.muli %add3A, %mul3A_257 : i32
        %add3A_259 = vector.broadcast %mul3A_258 : i32 to vector<16xi32>
        %add3A_260 = arith.addi %get3A_256, %add3A_259 : vector<16xi32>
        %mul3A_261 = arith.constant 16 : i32
        %mul3A_262 = arith.muli %scan3A_252, %mul3A_261 : i32
        %swap3A_263 = arith.index_cast %mul3A_262 : i32 to index
        %swap3A_264 = tpu.vector_load %arg11[%swap3A_263] {strides = array<i32>} : memref<16384xi32, #tpu.memory_space<vmem>>, vector<16xi32>,
        tpu.vector_store %arg11[%swap3A_263], %add3A_260 {strides = array<i32>} : memref<16384xi32, #tpu.memory_space<vmem>>, vector<16xi32>,
        %scan3A_265 = arith.constant 0 : i32
        scf.yield %scan3A_265 : i32
      }
      %scan3A_129 = arith.constant 1024 : i32
      %mul3A_130 = arith.constant 16384 : i32
      %mul3A_131 = arith.muli %add3A, %mul3A_130 : i32
      "tpu.region"() ({
        %run_scoped3A = tpu.sem_alloc : memref<!tpu.dma_semaphore, #tpu.memory_space<semaphore_mem>>
        %dma_start3A_148 = tpu.memref_slice %arg6[%mul3A_131] : memref<425984xi32, #tpu.memory_space<hbm>> -> memref<16384xi32, #tpu.memory_space<hbm>>
        %dma_start3A_149 = tpu.memref_slice %arg6[%mul3A_131] : memref<425984xi32, #tpu.memory_space<hbm>> -> memref<16384xi32, #tpu.memory_space<hbm>>
        tpu.enqueue_dma source(%arg11 : memref<16384xi32, #tpu.memory_space<vmem>>) target(%dma_start3A_149 : memref<16384xi32, #tpu.memory_space<hbm>>) target_semaphore(%run_scoped3A : memref<!tpu.dma_semaphore, #tpu.memory_space<semaphore_mem>>)
        %dma_wait3A_150 = tpu.memref_slice %arg6[%mul3A_131] : memref<425984xi32, #tpu.memory_space<hbm>> -> memref<16384xi32, #tpu.memory_space<hbm>>
        %dma_wait3A_151 = tpu.memref_slice %arg6[%mul3A_131] : memref<425984xi32, #tpu.memory_space<hbm>> -> memref<16384xi32, #tpu.memory_space<hbm>>
        tpu.wait_dma2 semaphore(%run_scoped3A : memref<!tpu.dma_semaphore, #tpu.memory_space<semaphore_mem>>) src(%arg11 : memref<16384xi32, #tpu.memory_space<vmem>>) dst(%dma_wait3A_151 : memref<16384xi32, #tpu.memory_space<hbm>>)
        tpu.yield
      }) : () -> ()
      %dma_wait3A_132 = arith.constant 0 : i32
      %dma_wait3A_133 = tpu.memref_slice %arg9[%dma_wait3A_132] : memref<16384xf32, #tpu.memory_space<vmem>> -> memref<10240xf32, #tpu.memory_space<vmem>>
      %dma_wait3A_134 = arith.constant 0 : i32
      %dma_wait3A_135 = tpu.memref_slice %arg5[%dma_wait3A_134] : memref<41639936xf32, #tpu.memory_space<hbm>> -> memref<10240xf32, #tpu.memory_space<hbm>>
      %dma_wait3A_136 = arith.constant 0 : i32
      %dma_wait3A_137 = tpu.memref_slice %arg5[%dma_wait3A_136] : memref<41639936xf32, #tpu.memory_space<hbm>> -> memref<10240xf32, #tpu.memory_space<hbm>>
      %dma_wait3A_138 = arith.constant 0 : i32
      %dma_wait3A_139 = tpu.memref_slice %arg9[%dma_wait3A_138] : memref<16384xf32, #tpu.memory_space<vmem>> -> memref<10240xf32, #tpu.memory_space<vmem>>
      tpu.wait_dma2 semaphore(%arg15 : memref<!tpu.dma_semaphore, #tpu.memory_space<semaphore_mem>>) src(%dma_wait3A_139 : memref<10240xf32, #tpu.memory_space<vmem>>) dst(%dma_wait3A_137 : memref<10240xf32, #tpu.memory_space<hbm>>)
      %dma_wait3A_140 = arith.constant 0 : i32
      %dma_wait3A_141 = tpu.memref_slice %arg10[%dma_wait3A_140] : memref<16384xf32, #tpu.memory_space<vmem>> -> memref<2048xf32, #tpu.memory_space<vmem>>
      %dma_wait3A_142 = arith.constant 0 : i32
      %dma_wait3A_143 = tpu.memref_slice %arg5[%dma_wait3A_142] : memref<41639936xf32, #tpu.memory_space<hbm>> -> memref<2048xf32, #tpu.memory_space<hbm>>
      %dma_wait3A_144 = arith.constant 0 : i32
      %dma_wait3A_145 = tpu.memref_slice %arg5[%dma_wait3A_144] : memref<41639936xf32, #tpu.memory_space<hbm>> -> memref<2048xf32, #tpu.memory_space<hbm>>
      %dma_wait3A_146 = arith.constant 0 : i32
      %dma_wait3A_147 = tpu.memref_slice %arg10[%dma_wait3A_146] : memref<16384xf32, #tpu.memory_space<vmem>> -> memref<2048xf32, #tpu.memory_space<vmem>>
      tpu.wait_dma2 semaphore(%arg16 : memref<!tpu.dma_semaphore, #tpu.memory_space<semaphore_mem>>) src(%dma_wait3A_147 : memref<2048xf32, #tpu.memory_space<vmem>>) dst(%dma_wait3A_145 : memref<2048xf32, #tpu.memory_space<hbm>>)
    } else {
    }
    return
  }
}

#map = affine_map<(d0, d1) -> (0)>
#map1 = affine_map<(d0, d1) -> (0, 0)>
#map2 = affine_map<(d0, d1) -> (0, 0, 0)>
module attributes {stable_mosaic.version = 14 : i64} {
  func.func @_gather_body(%arg0: i32, %arg1: i32, %arg2: memref<425984xi32, #tpu.memory_space<hbm>>, %arg3: memref<2602496x16xf32, #tpu.memory_space<hbm>>, %arg4: memref<4x16384x128xf32, #tpu.memory_space<hbm>>, %arg5: memref<1024xi32, #tpu.memory_space<vmem>>, %arg6: memref<1024x16xf32, #tpu.memory_space<vmem>>, %arg7: memref<!tpu.dma_semaphore, #tpu.memory_space<semaphore_mem>>) attributes {dimension_semantics = [#tpu.dimension_semantics<core_parallel>, #tpu.dimension_semantics<subcore_parallel>], iteration_bounds = array<i64: 2, 16>, scalar_prefetch = 0 : i64, scratch_operands = 3 : i64, tpu.core_type = #tpu.core_type<sc_vector_subcore>, window_params = [{transform_indices = #map}, {transform_indices = #map1}, {transform_indices = #map2}]} {
    %mul3A = arith.constant 2 : i32
    %mul3A_0 = arith.muli %arg1, %mul3A : i32
    %add3A = arith.addi %mul3A_0, %arg0 : i32
    %scan3A = arith.constant 0 : i32
    %scan3A_1 = arith.constant 0 : i32
    %scan3A_2 = arith.constant 13 : i32
    %scan3A_3 = arith.addi %scan3A_1, %scan3A_2 : i32
    %scan3A_4 = arith.constant 1 : i32
    scf.for %scan3A_6 = %scan3A_1 to %scan3A_3 step %scan3A_4  : i32 {
      %mul3A_7 = arith.constant 13 : i32
      %mul3A_8 = arith.muli %add3A, %mul3A_7 : i32
      %add3A_9 = arith.addi %mul3A_8, %scan3A_6 : i32
      %jit3A = arith.constant 16 : i32
      %div3A = arith.divsi %add3A_9, %jit3A : i32
      %sign3A = arith.constant 0 : i32
      %sign3A_10 = arith.cmpi sgt, %add3A_9, %sign3A : i32
      %sign3A_11 = arith.extui %sign3A_10 : i1 to i32
      %sign3A_12 = arith.constant 0 : i32
      %sign3A_13 = arith.cmpi slt, %add3A_9, %sign3A_12 : i32
      %sign3A_14 = arith.extui %sign3A_13 : i1 to i32
      %sign3A_15 = arith.subi %sign3A_11, %sign3A_14 : i32
      %sign3A_16 = arith.constant 0 : i32
      %sign3A_17 = arith.cmpi sgt, %jit3A, %sign3A_16 : i32
      %sign3A_18 = arith.extui %sign3A_17 : i1 to i32
      %sign3A_19 = arith.constant 0 : i32
      %sign3A_20 = arith.cmpi slt, %jit3A, %sign3A_19 : i32
      %sign3A_21 = arith.extui %sign3A_20 : i1 to i32
      %sign3A_22 = arith.subi %sign3A_18, %sign3A_21 : i32
      %ne3A = arith.cmpi ne, %sign3A_15, %sign3A_22 : i32
      %rem3A = arith.remsi %add3A_9, %jit3A : i32
      %ne3A_23 = arith.constant 0 : i32
      %ne3A_24 = arith.cmpi ne, %rem3A, %ne3A_23 : i32
      %and3A = arith.andi %ne3A, %ne3A_24 : i1
      %sub3A = arith.constant 1 : i32
      %sub3A_25 = arith.subi %div3A, %sub3A : i32
      %select_n3A = arith.select %and3A, %sub3A_25, %div3A : i32
      %jit3A_26 = arith.constant 16 : i32
      %eq3A = arith.constant 0 : i32
      %eq3A_27 = arith.cmpi eq, %jit3A_26, %eq3A : i32
      %jit3A_28 = arith.constant 1 : i32
      %select_n3A_29 = arith.select %eq3A_27, %jit3A_28, %jit3A_26 : i32
      %rem3A_30 = arith.remsi %add3A_9, %select_n3A_29 : i32
      %ne3A_31 = arith.constant 0 : i32
      %ne3A_32 = arith.cmpi ne, %rem3A_30, %ne3A_31 : i32
      %lt3A = arith.constant 0 : i32
      %lt3A_33 = arith.cmpi slt, %rem3A_30, %lt3A : i32
      %lt3A_34 = arith.constant 0 : i32
      %lt3A_35 = arith.cmpi slt, %select_n3A_29, %lt3A_34 : i32
      %ne3A_36 = arith.xori %lt3A_33, %lt3A_35 : i1
      %and3A_37 = arith.andi %ne3A_36, %ne3A_32 : i1
      %add3A_38 = arith.addi %rem3A_30, %select_n3A_29 : i32
      %select_n3A_39 = arith.select %and3A_37, %add3A_38, %rem3A_30 : i32
      %mul3A_40 = arith.constant 1024 : i32
      %mul3A_41 = arith.muli %select_n3A_39, %mul3A_40 : i32
      %mul3A_42 = arith.constant 16384 : i32
      %mul3A_43 = arith.muli %select_n3A, %mul3A_42 : i32
      %add3A_44 = arith.addi %mul3A_43, %mul3A_41 : i32
      "tpu.region"() ({
        %run_scoped3A = tpu.sem_alloc : memref<!tpu.dma_semaphore, #tpu.memory_space<semaphore_mem>>
        %dma_start3A_91 = tpu.memref_slice %arg2[%add3A_44] : memref<425984xi32, #tpu.memory_space<hbm>> -> memref<1024xi32, #tpu.memory_space<hbm>>
        %dma_start3A_92 = tpu.memref_slice %arg2[%add3A_44] : memref<425984xi32, #tpu.memory_space<hbm>> -> memref<1024xi32, #tpu.memory_space<hbm>>
        tpu.enqueue_dma source(%dma_start3A_92 : memref<1024xi32, #tpu.memory_space<hbm>>) target(%arg5 : memref<1024xi32, #tpu.memory_space<vmem>>) target_semaphore(%run_scoped3A : memref<!tpu.dma_semaphore, #tpu.memory_space<semaphore_mem>>)
        %dma_wait3A_93 = tpu.memref_slice %arg2[%add3A_44] : memref<425984xi32, #tpu.memory_space<hbm>> -> memref<1024xi32, #tpu.memory_space<hbm>>
        %dma_wait3A_94 = tpu.memref_slice %arg2[%add3A_44] : memref<425984xi32, #tpu.memory_space<hbm>> -> memref<1024xi32, #tpu.memory_space<hbm>>
        tpu.wait_dma2 semaphore(%run_scoped3A : memref<!tpu.dma_semaphore, #tpu.memory_space<semaphore_mem>>) src(%dma_wait3A_94 : memref<1024xi32, #tpu.memory_space<hbm>>) dst(%arg5 : memref<1024xi32, #tpu.memory_space<vmem>>)
        tpu.yield
      }) : () -> ()
      %dma_start3A = arith.constant 0 : i32
      %dma_start3A_45 = arith.constant 0 : i32
      %dma_start3A_46 = tpu.memref_slice %arg3[%dma_start3A, %dma_start3A_45] : memref<2602496x16xf32, #tpu.memory_space<hbm>> -> memref<2602496x16xf32, #tpu.memory_space<hbm>>
      tpu.enqueue_indirect_dma source(%dma_start3A_46 : memref<2602496x16xf32, #tpu.memory_space<hbm>>) target(%arg6 : memref<1024x16xf32, #tpu.memory_space<vmem>>) offsets(%arg5 : memref<1024xi32, #tpu.memory_space<vmem>>) semaphore(%arg7 : memref<!tpu.dma_semaphore, #tpu.memory_space<semaphore_mem>>)
      %dma_wait3A = arith.constant 0 : i32
      %dma_wait3A_47 = arith.constant 0 : i32
      %dma_wait3A_48 = tpu.memref_slice %arg3[%dma_wait3A, %dma_wait3A_47] : memref<2602496x16xf32, #tpu.memory_space<hbm>> -> memref<2602496x16xf32, #tpu.memory_space<hbm>>
      tpu.wait_indirect_dma semaphore(%arg7 : memref<!tpu.dma_semaphore, #tpu.memory_space<semaphore_mem>>) src(%dma_wait3A_48 : memref<2602496x16xf32, #tpu.memory_space<hbm>>) dst(%arg6 : memref<1024x16xf32, #tpu.memory_space<vmem>>)
      %jit3A_49 = arith.constant 8 : i32
      %div3A_50 = arith.divsi %select_n3A, %jit3A_49 : i32
      %sign3A_51 = arith.constant 0 : i32
      %sign3A_52 = arith.cmpi sgt, %select_n3A, %sign3A_51 : i32
      %sign3A_53 = arith.extui %sign3A_52 : i1 to i32
      %sign3A_54 = arith.constant 0 : i32
      %sign3A_55 = arith.cmpi slt, %select_n3A, %sign3A_54 : i32
      %sign3A_56 = arith.extui %sign3A_55 : i1 to i32
      %sign3A_57 = arith.subi %sign3A_53, %sign3A_56 : i32
      %sign3A_58 = arith.constant 0 : i32
      %sign3A_59 = arith.cmpi sgt, %jit3A_49, %sign3A_58 : i32
      %sign3A_60 = arith.extui %sign3A_59 : i1 to i32
      %sign3A_61 = arith.constant 0 : i32
      %sign3A_62 = arith.cmpi slt, %jit3A_49, %sign3A_61 : i32
      %sign3A_63 = arith.extui %sign3A_62 : i1 to i32
      %sign3A_64 = arith.subi %sign3A_60, %sign3A_63 : i32
      %ne3A_65 = arith.cmpi ne, %sign3A_57, %sign3A_64 : i32
      %rem3A_66 = arith.remsi %select_n3A, %jit3A_49 : i32
      %ne3A_67 = arith.constant 0 : i32
      %ne3A_68 = arith.cmpi ne, %rem3A_66, %ne3A_67 : i32
      %and3A_69 = arith.andi %ne3A_65, %ne3A_68 : i1
      %sub3A_70 = arith.constant 1 : i32
      %sub3A_71 = arith.subi %div3A_50, %sub3A_70 : i32
      %select_n3A_72 = arith.select %and3A_69, %sub3A_71, %div3A_50 : i32
      %jit3A_73 = arith.constant 8 : i32
      %eq3A_74 = arith.constant 0 : i32
      %eq3A_75 = arith.cmpi eq, %jit3A_73, %eq3A_74 : i32
      %jit3A_76 = arith.constant 1 : i32
      %select_n3A_77 = arith.select %eq3A_75, %jit3A_76, %jit3A_73 : i32
      %rem3A_78 = arith.remsi %select_n3A, %select_n3A_77 : i32
      %ne3A_79 = arith.constant 0 : i32
      %ne3A_80 = arith.cmpi ne, %rem3A_78, %ne3A_79 : i32
      %lt3A_81 = arith.constant 0 : i32
      %lt3A_82 = arith.cmpi slt, %rem3A_78, %lt3A_81 : i32
      %lt3A_83 = arith.constant 0 : i32
      %lt3A_84 = arith.cmpi slt, %select_n3A_77, %lt3A_83 : i32
      %ne3A_85 = arith.xori %lt3A_82, %lt3A_84 : i1
      %and3A_86 = arith.andi %ne3A_85, %ne3A_80 : i1
      %add3A_87 = arith.addi %rem3A_78, %select_n3A_77 : i32
      %select_n3A_88 = arith.select %and3A_86, %add3A_87, %rem3A_78 : i32
      %mul3A_89 = arith.constant 16 : i32
      %mul3A_90 = arith.muli %select_n3A_88, %mul3A_89 : i32
      "tpu.region"() ({
        %run_scoped3A = tpu.sem_alloc : memref<!tpu.dma_semaphore, #tpu.memory_space<semaphore_mem>>
        %dma_start3A_91 = tpu.memref_slice %arg4[%select_n3A_72, %mul3A_41, %mul3A_90] : memref<4x16384x128xf32, #tpu.memory_space<hbm>> -> memref<1x1024x16xf32, #tpu.memory_space<hbm>>
        %dma_start3A_92 = tpu.memref_squeeze %dma_start3A_91 : memref<1x1024x16xf32, #tpu.memory_space<hbm>> -> memref<1024x16xf32, #tpu.memory_space<hbm>>
        %dma_start3A_93 = tpu.memref_slice %arg4[%select_n3A_72, %mul3A_41, %mul3A_90] : memref<4x16384x128xf32, #tpu.memory_space<hbm>> -> memref<1x1024x16xf32, #tpu.memory_space<hbm>>
        %dma_start3A_94 = tpu.memref_squeeze %dma_start3A_93 : memref<1x1024x16xf32, #tpu.memory_space<hbm>> -> memref<1024x16xf32, #tpu.memory_space<hbm>>
        tpu.enqueue_dma source(%arg6 : memref<1024x16xf32, #tpu.memory_space<vmem>>) target(%dma_start3A_94 : memref<1024x16xf32, #tpu.memory_space<hbm>>) target_semaphore(%run_scoped3A : memref<!tpu.dma_semaphore, #tpu.memory_space<semaphore_mem>>)
        %dma_wait3A_95 = tpu.memref_slice %arg4[%select_n3A_72, %mul3A_41, %mul3A_90] : memref<4x16384x128xf32, #tpu.memory_space<hbm>> -> memref<1x1024x16xf32, #tpu.memory_space<hbm>>
        %dma_wait3A_96 = tpu.memref_squeeze %dma_wait3A_95 : memref<1x1024x16xf32, #tpu.memory_space<hbm>> -> memref<1024x16xf32, #tpu.memory_space<hbm>>
        %dma_wait3A_97 = tpu.memref_slice %arg4[%select_n3A_72, %mul3A_41, %mul3A_90] : memref<4x16384x128xf32, #tpu.memory_space<hbm>> -> memref<1x1024x16xf32, #tpu.memory_space<hbm>>
        %dma_wait3A_98 = tpu.memref_squeeze %dma_wait3A_97 : memref<1x1024x16xf32, #tpu.memory_space<hbm>> -> memref<1024x16xf32, #tpu.memory_space<hbm>>
        tpu.wait_dma2 semaphore(%run_scoped3A : memref<!tpu.dma_semaphore, #tpu.memory_space<semaphore_mem>>) src(%arg6 : memref<1024x16xf32, #tpu.memory_space<vmem>>) dst(%dma_wait3A_98 : memref<1024x16xf32, #tpu.memory_space<hbm>>)
        tpu.yield
      }) : () -> ()
    }
    %scan3A_5 = arith.constant 13 : i32
    return
  }
}

module attributes {stable_mosaic.version = 14 : i64} {
  func.func @_tail_body(%arg0: i32, %arg1: memref<1x16x128xf32, #tpu.memory_space<vmem>>, %arg2: memref<16x128xf32, #tpu.memory_space<vmem>>) attributes {dimension_semantics = [#tpu.dimension_semantics<arbitrary>], iteration_bounds = array<i64: 26>, scalar_prefetch = 0 : i64, scratch_operands = 0 : i64, tpu.core_type = #tpu.core_type<tc>, window_params = [{transform_indices = @transform_0, window_bounds = array<i64: 1, 16, 128>}, {transform_indices = @transform_1, window_bounds = array<i64: 16, 128>}]} {
    %get3A = arith.constant 0 : index
    %get3A_0 = arith.constant 0 : index
    %get3A_1 = arith.constant 0 : index
    %get3A_2 = vector.load %arg1[%get3A, %get3A_0, %get3A_1] : memref<1x16x128xf32, #tpu.memory_space<vmem>>, vector<1x16x128xf32>
    %get3A_3 = vector.shape_cast %get3A_2 : vector<1x16x128xf32> to vector<16x128xf32>
    %iota3A = tpu.iota {dimensions = array<i32: 0>} : vector<16x16xi32>
    %iota3A_4 = tpu.iota {dimensions = array<i32: 1>} : vector<16x16xi32>
    %add3A = arith.constant 0 : i32
    %add3A_5 = vector.broadcast %add3A : i32 to vector<16x16xi32>
    %add3A_6 = arith.addi %iota3A, %add3A_5 : vector<16x16xi32>
    %eq3A = arith.cmpi eq, %add3A_6, %iota3A_4 : vector<16x16xi32>
    %convert_element_type3A = arith.extui %eq3A : vector<16x16xi1> to vector<16x16xi32>
    %convert_element_type3A_7 = arith.sitofp %convert_element_type3A : vector<16x16xi32> to vector<16x16xf32>
    %dot_general3A = arith.constant dense<0.000000e+00> : vector<128x16xf32>
    %dot_general3A_8 = tpu.matmul %get3A_3, %convert_element_type3A_7, %dot_general3A {dimension_numbers = #tpu.dot_dimension_numbers<[0], [0], [1], [1], [0, 1, 1, 1], [], []>, transpose_lhs_hint = false} : vector<16x128xf32>, vector<16x16xf32>, vector<128x16xf32> -> vector<128x16xf32>
    %reshape3A = vector.shape_cast %dot_general3A_8 : vector<128x16xf32> to vector<16x8x16xf32>
    %slice3A = vector.extract_strided_slice %reshape3A {offsets = [0, 0, 0], sizes = [16, 1, 16], strides = [1, 1, 1]} : vector<16x8x16xf32> to vector<16x1x16xf32>
    %squeeze3A = vector.shape_cast %slice3A : vector<16x1x16xf32> to vector<16x16xf32>
    %slice3A_9 = vector.extract_strided_slice %reshape3A {offsets = [0, 1, 0], sizes = [16, 1, 16], strides = [1, 1, 1]} : vector<16x8x16xf32> to vector<16x1x16xf32>
    %squeeze3A_10 = vector.shape_cast %slice3A_9 : vector<16x1x16xf32> to vector<16x16xf32>
    %slice3A_11 = vector.extract_strided_slice %reshape3A {offsets = [0, 2, 0], sizes = [16, 1, 16], strides = [1, 1, 1]} : vector<16x8x16xf32> to vector<16x1x16xf32>
    %squeeze3A_12 = vector.shape_cast %slice3A_11 : vector<16x1x16xf32> to vector<16x16xf32>
    %slice3A_13 = vector.extract_strided_slice %reshape3A {offsets = [0, 3, 0], sizes = [16, 1, 16], strides = [1, 1, 1]} : vector<16x8x16xf32> to vector<16x1x16xf32>
    %squeeze3A_14 = vector.shape_cast %slice3A_13 : vector<16x1x16xf32> to vector<16x16xf32>
    %slice3A_15 = vector.extract_strided_slice %reshape3A {offsets = [0, 4, 0], sizes = [16, 1, 16], strides = [1, 1, 1]} : vector<16x8x16xf32> to vector<16x1x16xf32>
    %squeeze3A_16 = vector.shape_cast %slice3A_15 : vector<16x1x16xf32> to vector<16x16xf32>
    %slice3A_17 = vector.extract_strided_slice %reshape3A {offsets = [0, 5, 0], sizes = [16, 1, 16], strides = [1, 1, 1]} : vector<16x8x16xf32> to vector<16x1x16xf32>
    %squeeze3A_18 = vector.shape_cast %slice3A_17 : vector<16x1x16xf32> to vector<16x16xf32>
    %slice3A_19 = vector.extract_strided_slice %reshape3A {offsets = [0, 6, 0], sizes = [16, 1, 16], strides = [1, 1, 1]} : vector<16x8x16xf32> to vector<16x1x16xf32>
    %squeeze3A_20 = vector.shape_cast %slice3A_19 : vector<16x1x16xf32> to vector<16x16xf32>
    %slice3A_21 = vector.extract_strided_slice %reshape3A {offsets = [0, 7, 0], sizes = [16, 1, 16], strides = [1, 1, 1]} : vector<16x8x16xf32> to vector<16x1x16xf32>
    %squeeze3A_22 = vector.shape_cast %slice3A_21 : vector<16x1x16xf32> to vector<16x16xf32>
    %concatenate3A = tpu.concatenate %squeeze3A, %squeeze3A_10, %squeeze3A_12, %squeeze3A_14, %squeeze3A_16, %squeeze3A_18, %squeeze3A_20, %squeeze3A_22 in 1 : vector<16x16xf32>, vector<16x16xf32>, vector<16x16xf32>, vector<16x16xf32>, vector<16x16xf32>, vector<16x16xf32>, vector<16x16xf32>, vector<16x16xf32> -> vector<16x128xf32>
    %swap3A = arith.constant 0 : index
    %swap3A_23 = arith.constant 0 : index
    %swap3A_24 = vector.load %arg2[%swap3A, %swap3A_23] : memref<16x128xf32, #tpu.memory_space<vmem>>, vector<16x128xf32>
    tpu.vector_store %arg2[%swap3A, %swap3A_23], %concatenate3A {strides = array<i32>} : memref<16x128xf32, #tpu.memory_space<vmem>>, vector<16x128xf32>,
    return
  }
  func.func @transform_0(%arg0: i32) -> (i32, i32, i32) {
    %c0_i32 = arith.constant 0 : i32
    %c781_i32 = arith.constant 781 : i32
    %c0_i32_0 = arith.constant 0 : i32
    return %arg0, %c0_i32, %c781_i32 : i32, i32, i32
  }
  func.func @transform_1(%arg0: i32) -> (i32, i32) {
    %c0_i32 = arith.constant 0 : i32
    %c0_i32_0 = arith.constant 0 : i32
    return %arg0, %c0_i32 : i32, i32
  }
}

module attributes {stable_mosaic.version = 14 : i64} {
  func.func @_mlp_body(%arg0: i32, %arg1: memref<4x2048x128xf32, #tpu.memory_space<vmem>>, %arg2: memref<2048x13xf32, #tpu.memory_space<vmem>>, %arg3: memref<416x64xf32, #tpu.memory_space<vmem>>, %arg4: memref<13x64xf32, #tpu.memory_space<vmem>>, %arg5: memref<1x64xf32, #tpu.memory_space<vmem>>, %arg6: memref<64x1xf32, #tpu.memory_space<vmem>>, %arg7: memref<1x1xf32, #tpu.memory_space<vmem>>, %arg8: memref<2048x1xf32, #tpu.memory_space<vmem>>) attributes {dimension_semantics = [#tpu.dimension_semantics<arbitrary>], iteration_bounds = array<i64: 8>, scalar_prefetch = 0 : i64, scratch_operands = 0 : i64, tpu.core_type = #tpu.core_type<tc>, window_params = [{transform_indices = @transform_0, window_bounds = array<i64: 4, 2048, 128>}, {transform_indices = @transform_1, window_bounds = array<i64: 2048, 13>}, {pipeline_mode = #tpu.pipeline_mode<synchronous>, transform_indices = @transform_2, window_bounds = array<i64: 416, 64>}, {pipeline_mode = #tpu.pipeline_mode<synchronous>, transform_indices = @transform_3, window_bounds = array<i64: 13, 64>}, {pipeline_mode = #tpu.pipeline_mode<synchronous>, transform_indices = @transform_4, window_bounds = array<i64: 1, 64>}, {pipeline_mode = #tpu.pipeline_mode<synchronous>, transform_indices = @transform_5, window_bounds = array<i64: 64, 1>}, {pipeline_mode = #tpu.pipeline_mode<synchronous>, transform_indices = @transform_6, window_bounds = array<i64: 1, 1>}, {transform_indices = @transform_7, window_bounds = array<i64: 2048, 1>}]} {
    %get3A = arith.constant 0 : index
    %get3A_0 = arith.constant 0 : index
    %get3A_1 = arith.constant 0 : index
    %get3A_2 = vector.load %arg1[%get3A, %get3A_0, %get3A_1] : memref<4x2048x128xf32, #tpu.memory_space<vmem>>, vector<4x2048x128xf32>
    %get3A_3 = arith.constant 0 : index
    %get3A_4 = arith.constant 0 : index
    %get3A_5 = vector.load %arg3[%get3A_3, %get3A_4] : memref<416x64xf32, #tpu.memory_space<vmem>>, vector<416x64xf32>
    %get3A_6 = arith.constant 0 : index
    %get3A_7 = arith.constant 0 : index
    %get3A_8 = vector.load %arg2[%get3A_6, %get3A_7] : memref<2048x13xf32, #tpu.memory_space<vmem>>, vector<2048x13xf32>
    %get3A_9 = arith.constant 0 : index
    %get3A_10 = arith.constant 0 : index
    %get3A_11 = vector.load %arg4[%get3A_9, %get3A_10] : memref<13x64xf32, #tpu.memory_space<vmem>>, vector<13x64xf32>
    %dot_general3A = arith.constant dense<0.000000e+00> : vector<2048x64xf32>
    %dot_general3A_12 = tpu.matmul %get3A_8, %get3A_11, %dot_general3A {dimension_numbers = #tpu.dot_dimension_numbers<[1], [0], [0], [1], [0, 0, 1, 1], [], []>, transpose_lhs_hint = false} : vector<2048x13xf32>, vector<13x64xf32>, vector<2048x64xf32> -> vector<2048x64xf32>
    %get3A_13 = arith.constant 0 : index
    %get3A_14 = arith.constant 0 : index
    %get3A_15 = vector.load %arg5[%get3A_13, %get3A_14] : memref<1x64xf32, #tpu.memory_space<vmem>>, vector<1x64xf32>
    %add3A = vector.broadcast %get3A_15 : vector<1x64xf32> to vector<2048x64xf32>
    %add3A_16 = arith.addf %dot_general3A_12, %add3A : vector<2048x64xf32>
    %slice3A = vector.extract_strided_slice %get3A_2 {offsets = [0, 0, 0], sizes = [1, 2048, 128], strides = [1, 1, 1]} : vector<4x2048x128xf32> to vector<1x2048x128xf32>
    %squeeze3A = vector.shape_cast %slice3A : vector<1x2048x128xf32> to vector<2048x128xf32>
    %slice3A_17 = vector.extract_strided_slice %get3A_5 {offsets = [0, 0], sizes = [128, 64], strides = [1, 1]} : vector<416x64xf32> to vector<128x64xf32>
    %dot_general3A_18 = arith.constant dense<0.000000e+00> : vector<2048x64xf32>
    %dot_general3A_19 = tpu.matmul %squeeze3A, %slice3A_17, %dot_general3A_18 {dimension_numbers = #tpu.dot_dimension_numbers<[1], [0], [0], [1], [0, 0, 1, 1], [], []>, transpose_lhs_hint = false} : vector<2048x128xf32>, vector<128x64xf32>, vector<2048x64xf32> -> vector<2048x64xf32>
    %add3A_20 = arith.addf %add3A_16, %dot_general3A_19 : vector<2048x64xf32>
    %slice3A_21 = vector.extract_strided_slice %get3A_2 {offsets = [1, 0, 0], sizes = [1, 2048, 128], strides = [1, 1, 1]} : vector<4x2048x128xf32> to vector<1x2048x128xf32>
    %squeeze3A_22 = vector.shape_cast %slice3A_21 : vector<1x2048x128xf32> to vector<2048x128xf32>
    %slice3A_23 = vector.extract_strided_slice %get3A_5 {offsets = [128, 0], sizes = [128, 64], strides = [1, 1]} : vector<416x64xf32> to vector<128x64xf32>
    %dot_general3A_24 = arith.constant dense<0.000000e+00> : vector<2048x64xf32>
    %dot_general3A_25 = tpu.matmul %squeeze3A_22, %slice3A_23, %dot_general3A_24 {dimension_numbers = #tpu.dot_dimension_numbers<[1], [0], [0], [1], [0, 0, 1, 1], [], []>, transpose_lhs_hint = false} : vector<2048x128xf32>, vector<128x64xf32>, vector<2048x64xf32> -> vector<2048x64xf32>
    %add3A_26 = arith.addf %add3A_20, %dot_general3A_25 : vector<2048x64xf32>
    %slice3A_27 = vector.extract_strided_slice %get3A_2 {offsets = [2, 0, 0], sizes = [1, 2048, 128], strides = [1, 1, 1]} : vector<4x2048x128xf32> to vector<1x2048x128xf32>
    %squeeze3A_28 = vector.shape_cast %slice3A_27 : vector<1x2048x128xf32> to vector<2048x128xf32>
    %slice3A_29 = vector.extract_strided_slice %get3A_5 {offsets = [256, 0], sizes = [128, 64], strides = [1, 1]} : vector<416x64xf32> to vector<128x64xf32>
    %dot_general3A_30 = arith.constant dense<0.000000e+00> : vector<2048x64xf32>
    %dot_general3A_31 = tpu.matmul %squeeze3A_28, %slice3A_29, %dot_general3A_30 {dimension_numbers = #tpu.dot_dimension_numbers<[1], [0], [0], [1], [0, 0, 1, 1], [], []>, transpose_lhs_hint = false} : vector<2048x128xf32>, vector<128x64xf32>, vector<2048x64xf32> -> vector<2048x64xf32>
    %add3A_32 = arith.addf %add3A_26, %dot_general3A_31 : vector<2048x64xf32>
    %slice3A_33 = vector.extract_strided_slice %get3A_2 {offsets = [3, 0, 0], sizes = [1, 2048, 128], strides = [1, 1, 1]} : vector<4x2048x128xf32> to vector<1x2048x128xf32>
    %squeeze3A_34 = vector.shape_cast %slice3A_33 : vector<1x2048x128xf32> to vector<2048x128xf32>
    %slice3A_35 = vector.extract_strided_slice %squeeze3A_34 {offsets = [0, 0], sizes = [2048, 32], strides = [1, 1]} : vector<2048x128xf32> to vector<2048x32xf32>
    %slice3A_36 = vector.extract_strided_slice %get3A_5 {offsets = [384, 0], sizes = [32, 64], strides = [1, 1]} : vector<416x64xf32> to vector<32x64xf32>
    %dot_general3A_37 = arith.constant dense<0.000000e+00> : vector<2048x64xf32>
    %dot_general3A_38 = tpu.matmul %slice3A_35, %slice3A_36, %dot_general3A_37 {dimension_numbers = #tpu.dot_dimension_numbers<[1], [0], [0], [1], [0, 0, 1, 1], [], []>, transpose_lhs_hint = false} : vector<2048x32xf32>, vector<32x64xf32>, vector<2048x64xf32> -> vector<2048x64xf32>
    %add3A_39 = arith.addf %add3A_32, %dot_general3A_38 : vector<2048x64xf32>
    %max3A = arith.constant 0.000000e+00 : f32
    %max3A_40 = vector.broadcast %max3A : f32 to vector<2048x64xf32>
    %max3A_41 = arith.maximumf %add3A_39, %max3A_40 : vector<2048x64xf32>
    %get3A_42 = arith.constant 0 : index
    %get3A_43 = arith.constant 0 : index
    %get3A_44 = vector.load %arg6[%get3A_42, %get3A_43] : memref<64x1xf32, #tpu.memory_space<vmem>>, vector<64x1xf32>
    %dot_general3A_45 = arith.constant dense<0.000000e+00> : vector<2048x1xf32>
    %dot_general3A_46 = tpu.matmul %max3A_41, %get3A_44, %dot_general3A_45 {dimension_numbers = #tpu.dot_dimension_numbers<[1], [0], [0], [1], [0, 0, 1, 1], [], []>, transpose_lhs_hint = false} : vector<2048x64xf32>, vector<64x1xf32>, vector<2048x1xf32> -> vector<2048x1xf32>
    %get3A_47 = arith.constant 0 : index
    %get3A_48 = arith.constant 0 : index
    %get3A_49 = vector.load %arg7[%get3A_47, %get3A_48] : memref<1x1xf32, #tpu.memory_space<vmem>>, vector<1x1xf32>
    %add3A_50 = vector.broadcast %get3A_49 : vector<1x1xf32> to vector<2048x1xf32>
    %add3A_51 = arith.addf %dot_general3A_46, %add3A_50 : vector<2048x1xf32>
    %swap3A = arith.constant 0 : index
    %swap3A_52 = arith.constant 0 : index
    %swap3A_53 = vector.load %arg8[%swap3A, %swap3A_52] : memref<2048x1xf32, #tpu.memory_space<vmem>>, vector<2048x1xf32>
    tpu.vector_store %arg8[%swap3A, %swap3A_52], %add3A_51 {strides = array<i32>} : memref<2048x1xf32, #tpu.memory_space<vmem>>, vector<2048x1xf32>,
    return
  }
  func.func @transform_0(%arg0: i32) -> (i32, i32, i32) {
    %c0_i32 = arith.constant 0 : i32
    %c0_i32_0 = arith.constant 0 : i32
    %c0_i32_1 = arith.constant 0 : i32
    return %c0_i32, %arg0, %c0_i32_0 : i32, i32, i32
  }
  func.func @transform_1(%arg0: i32) -> (i32, i32) {
    %c0_i32 = arith.constant 0 : i32
    %c0_i32_0 = arith.constant 0 : i32
    return %arg0, %c0_i32 : i32, i32
  }
  func.func @transform_2(%arg0: i32) -> (i32, i32) {
    %c0_i32 = arith.constant 0 : i32
    %c0_i32_0 = arith.constant 0 : i32
    %c0_i32_1 = arith.constant 0 : i32
    return %c0_i32, %c0_i32_0 : i32, i32
  }
  func.func @transform_3(%arg0: i32) -> (i32, i32) {
    %c0_i32 = arith.constant 0 : i32
    %c0_i32_0 = arith.constant 0 : i32
    %c0_i32_1 = arith.constant 0 : i32
    return %c0_i32, %c0_i32_0 : i32, i32
  }
  func.func @transform_4(%arg0: i32) -> (i32, i32) {
    %c0_i32 = arith.constant 0 : i32
    %c0_i32_0 = arith.constant 0 : i32
    %c0_i32_1 = arith.constant 0 : i32
    return %c0_i32, %c0_i32_0 : i32, i32
  }
  func.func @transform_5(%arg0: i32) -> (i32, i32) {
    %c0_i32 = arith.constant 0 : i32
    %c0_i32_0 = arith.constant 0 : i32
    %c0_i32_1 = arith.constant 0 : i32
    return %c0_i32, %c0_i32_0 : i32, i32
  }
  func.func @transform_6(%arg0: i32) -> (i32, i32) {
    %c0_i32 = arith.constant 0 : i32
    %c0_i32_0 = arith.constant 0 : i32
    %c0_i32_1 = arith.constant 0 : i32
    return %c0_i32, %c0_i32_0 : i32, i32
  }
  func.func @transform_7(%arg0: i32) -> (i32, i32) {
    %c0_i32 = arith.constant 0 : i32
    %c0_i32_0 = arith.constant 0 : i32
    return %arg0, %c0_i32 : i32, i32
  }
}

</mosaic_0001>

<sc_bundles>
// kernel: kernel.6.cloned.1.call-start
scs
__scs_entry_jumppad:
0x0: {  	(pc) =	sbr.rel $0x88, $3  }
0x1: {  	(tag) =	ssettag $0x0;
	lr =	simm.s32 $0x1  }
0x2: {  	[smem:$0x3F9A] =	sst lr;
	_ =	strace $0xD0000000  }
0x3: {  	_ = 	snop  }
0x4: {  	_ = 	snop  }
0x5: {  	_ = 	snop  }
0x6: {  	_ = 	snop  }
0x7: {  	_ = 	snop  }
__scs_overlays_trampoline_lowered:
0x8: {  	[smem:$0x3FA9] =	sst s0  }
0x9: {  	[smem:$0x3FAA] =	sst s1  }
0xa: {  	[smem:$0x3FAB] =	sst s2  }
0xb: {  	[smem:$0x3FAC] =	sst s3  }
0xc: {  	[smem:$0x3FAD] =	sst s4  }
0xd: {  	[smem:$0x3FAE] =	sst s5  }
0xe: {  	[smem:$0x3FAF] =	sst s6  }
0xf: {  	[smem:$0x3FB0] =	sst s7  }
0x10: {  	[smem:$0x3FB1] =	sst s8  }
0x11: {  	[smem:$0x3FB2] =	sst s9;
	s0 =	simm.s32 @!p0 $0x0  }
0x12: {  	s1 =	sld [smem:$0x3F98];
	s0 =	simm.s32 @p0 $0x1  }
0x13: {  	[smem:$0x3FB3] =	sst s0;
	s0 =	simm.s32 @!p1 $0x0  }
0x14: {  	s2 =	sld [smem:$0x3F97];
	s0 =	simm.s32 @p1 $0x1  }
0x15: {  	[smem:$0x3FB4] =	sst s0;
	s0 =	simm.s32 @!p2 $0x0  }
0x16: {  	s3 =	sld [smem:$0x3FDB];
	s0 =	simm.s32 @p2 $0x1  }
0x17: {  	s4 =	simm.s32 $0x1BF5;
	[smem:$0x3FB6] =	sst s0  }
0x18: {  	s0 =	sld [smem:$0x3F99];
	_ =	swait.ge [sflag:s4], $0x0  }
0x19: {  	s7 =	sld [smem:$0x3F9A]  }
0x1a: {  	s8 =	sadd.s32 $0xFFFFE003, lr  }
0x1b: {  	s9 =	sadd.s32 $0xFFFFFEF7, lr;
	s5 =	simm.s32 $0xFFFFFFFF;
	p2 =	slt.u32 s8, $0xFFFFF086  }
0x1c: {  	p1 =	slt.u32 s9, $0xF7A;
	s5 =	simm.s32 @!p2 $0x0  }
0x1d: {  	s5 =	simm.s32 @p1 $0x1;
	p0 =	seq.s32 s7, s2  }
0x1e: {  	s7 =	smul.u32 @!p0 $0xF7A, s2;
	p2 =	seq.s32 @!p0 s5, $0x0  }
0x1f: {  	s9 =	smul.u32 $0xF7A, s1;
	s8 =	simm.s32 @!p0 $0x1BF5;
	p2 =	por !p2, p0  }
0x20: {  	[sflag:s8] =	ssyncset.s32 @!p0 $0xFFFFF086;
	s6 =	sadd.s32 @!p0 s3, s7;
	s7 =	simm.s32 @!p0 $0x108  }
0x21: {  	s3 =	sadd.s32 s3, s9;
	s6 =	sadd.s32 @!p0 $0x88, s6;
	s7 =	simm.s32 @p2 $0x1082  }
0x22: {  	[simem:s7], [sflag:s8] =	dma.local @!p0 [hbm:s6], $0xF7A  }
0x23: {  	s9 =	sor.u32 $0xD0000000, s2;
	s6 =	simm.s32 $0x108;
	_ =	swait.ge @!p0 [sflag:s8], $0x0  }
0x24: {  	s3 =	sadd.s32 $0x88, s3;
	s6 =	simm.s32 @!p1 $0x1082;
	[sflag:s4] =	ssyncset.s32 $0xFFFFF086  }
0x25: {  	[simem:s6], [sflag:s4] =	dma.local [hbm:s3], $0xF7A  }
0x26: {  	[smem:$0x3F9A] =	sst s1;
	(tag) =	ssettag s2;
	_ =	strace s9  }
0x27: {  	s1 =	sld [smem:$0x3FAA]  }
0x28: {  	s2 =	sld [smem:$0x3FAB]  }
0x29: {  	s4 =	sld [smem:$0x3FAD]  }
0x2a: {  	p0 =	seq.s32 s5, $0x0;
	s5 =	sld [smem:$0x3FAE]  }
0x2b: {  	s6 =	sld [smem:$0x3FAF]  }
0x2c: {  	s7 =	sld [smem:$0x3FB0]  }
0x2d: {  	s3 =	simm.s32 $0x108;
	s8 =	sld [smem:$0x3FB1]  }
0x2e: {  	s3 =	simm.s32 @!p0 $0x1082;
	s9 =	sld [smem:$0x3FB2]  }
0x2f: {  	lr =	sadd.s32 s0, s3;
	s0 =	sld [smem:$0x3FA9]  }
0x30: {  	s3 =	sld [smem:$0x3FAC]  }
0x31: {  	[smem:$0x3FB5] =	sst s10  }
0x32: {  	s10 =	sld [smem:$0x3FB3];
	_ =	sdelay $0x3  }
0x33: {  	p0 =	seq.s32 s10, $0x1;
	s10 =	sld [smem:$0x3FB5];
	_ =	sdelay $0x3  }
0x34: {  	[smem:$0x3FB5] =	sst s10  }
0x35: {  	s10 =	sld [smem:$0x3FB4];
	_ =	sdelay $0x3  }
0x36: {  	p1 =	seq.s32 s10, $0x1;
	s10 =	sld [smem:$0x3FB5];
	_ =	sdelay $0x3  }
0x37: {  	[smem:$0x3FB5] =	sst s10  }
0x38: {  	s10 =	sld [smem:$0x3FB6]  }
0x39: {  	_ = 	snop;
	(pc) =	sbr.ind lr, $3  }
0x3a: {  	_ = 	snop  }
0x3b: {  	_ = 	snop  }
0x3c: {  	p2 =	seq.s32 s10, $0x1;
	s10 =	sld [smem:$0x3FB5]  }
0x3d: {  	_ =	shalt  }
0x3e: {  	_ =	shalt  }
0x3f: {  	_ =	shalt  }
0x40: {  	_ =	shalt  }
0x41: {  	_ =	shalt  }
0x42: {  	_ =	shalt  }
0x43: {  	_ =	shalt  }
0x44: {  	_ =	shalt  }
0x45: {  	_ =	shalt  }
0x46: {  	_ =	shalt  }
0x47: {  	_ =	shalt  }
0x48: {  	_ =	shalt  }
0x49: {  	_ =	shalt  }
0x4a: {  	_ =	shalt  }
0x4b: {  	_ =	shalt  }
0x4c: {  	_ =	shalt  }
0x4d: {  	_ =	shalt  }
0x4e: {  	_ =	shalt  }
0x4f: {  	_ =	shalt  }
0x50: {  	_ =	shalt  }
0x51: {  	_ =	shalt  }
0x52: {  	_ =	shalt  }
0x53: {  	_ =	shalt  }
0x54: {  	_ =	shalt  }
0x55: {  	_ =	shalt  }
0x56: {  	_ =	shalt  }
0x57: {  	_ =	shalt  }
0x58: {  	_ =	shalt  }
0x59: {  	_ =	shalt  }
0x5a: {  	_ =	shalt  }
0x5b: {  	_ =	shalt  }
0x5c: {  	_ =	shalt  }
0x5d: {  	_ =	shalt  }
0x5e: {  	_ =	shalt  }
0x5f: {  	_ =	shalt  }
0x60: {  	_ =	shalt  }
0x61: {  	_ =	shalt  }
0x62: {  	_ =	shalt  }
0x63: {  	_ =	shalt  }
0x64: {  	_ =	shalt  }
0x65: {  	_ =	shalt  }
0x66: {  	_ =	shalt  }
0x67: {  	_ =	shalt  }
0x68: {  	_ =	shalt  }
0x69: {  	_ =	shalt  }
0x6a: {  	_ =	shalt  }
0x6b: {  	_ =	shalt  }
0x6c: {  	_ =	shalt  }
0x6d: {  	_ =	shalt  }
0x6e: {  	_ =	shalt  }
0x6f: {  	_ =	shalt  }
0x70: {  	_ =	shalt  }
0x71: {  	_ =	shalt  }
0x72: {  	_ =	shalt  }
0x73: {  	_ =	shalt  }
0x74: {  	_ =	shalt  }
0x75: {  	_ =	shalt  }
0x76: {  	_ =	shalt  }
0x77: {  	_ =	shalt  }
0x78: {  	_ =	shalt  }
0x79: {  	_ =	shalt  }
0x7a: {  	_ =	shalt  }
0x7b: {  	_ =	shalt  }
0x7c: {  	_ =	shalt  }
0x7d: {  	_ =	shalt  }
0x7e: {  	_ =	shalt  }
0x7f: {  	_ =	shalt  }
0x80: {  	_ =	shalt  }
0x81: {  	_ =	shalt  }
0x82: {  	_ =	shalt  }
0x83: {  	_ =	shalt  }
0x84: {  	_ =	shalt  }
0x85: {  	_ =	shalt  }
0x86: {  	_ =	shalt  }
0x87: {  	_ =	shalt  }
.Lfunc_end0:
.L_simem_size_0:
called_computation_lowered:
.L_overlay_start_0:
0x88: {  	s2 =	sld [smem:$0x3FD9]  }
0x89: {  	s3 =	sld [smem:$0x3FFE];
	_ =	sdelay $0x1  }
0x8a: {  	s1 =	srdreg.scid  }
0x8b: {  	s0 =	sand.u32 $0x1, s1  }
0x8c: {  	s17 =	sshll.u32 s0, $0xA;
	s2 =	sadd.s32 s3, s2  }
0x8d: {  	s2 =	sadd.s32 s2, s17  }
0x8e: {  	[smem:$0x3FC1] =	sst s2  }
0x8f: {  	_ = 	snop  }
0x90: {  	s2 =	sld [smem:$0x3FC9]  }
0x91: {  	s18 =	sld [smem:$0x3FC7];
	(tm) =	ssettm $0x1  }
0x92: {  	s4 =	sld [smem:$0x3FFB];
	_ =	sdelay $0x3  }
0x93: {  	_ =	strace s4  }
0x94: {  	s4 =	sld [smem:$0x3FFC];
	_ =	sdelay $0x3  }
0x95: {  	_ =	strace s4  }
0x96: {  	s4 =	sld [smem:$0x3FFD];
	_ =	sdelay $0x3  }
0x97: {  	_ =	strace s4  }
0x98: {  	_ =	strace $0x8FFFFFFF  }
0x99: {  	s19 =	sld [smem:$0x3FDB];
	_ =	sdelay $0x1  }
0x9a: {  	s5 =	simm.s32 $_scs_section_size  }
0x9b: {  	s6 =	simm.s32 $_size__tile_overlayer_lowered;
	s7 =	simm.s32 $_tile_overlayer_lowered  }
0x9c: {  	s22 =	simm.s32 $0x1BFF;
	s21 =	sshll.u32 s7, $0x1;
	s4 =	sadd.s32 s5, s19  }
0x9d: {  	s8 =	simm.s32 $0x0;
	s20 =	sshll.u32 s6, $0x1;
	s6 =	sadd.s32 s21, s4  }
0x9e: {  	[timem:s8], [sflag:s22] =	dma.local [hbm:s6], s20  }
0x9f: {  	_ =	swait.ge [sflag:s22], s20  }
0xa0: {  	s5 =	ssub.s32 $0x0, s20;
	[sflag:s22] =	ssyncset.done $0x0  }
0xa1: {  	[sflag:s22] =	ssyncadd.s32 s5;
	_ =	sdelay $0x1  }
0xa2: {  	s23 =	simm.s32 $0x1B8B  }
0xa3: {  	_ =	swait.ge [sflag:s23], $0x1  }
0xa4: {  	[sflag:s23] =	ssyncset.done $0x0  }
0xa5: {  	s25 =	simm.s32 $0x1B8E;
	s24 =	sld [smem:$0x3FFE];
	[sflag:s23] =	ssyncadd.s32 $0xFFFFFFFF  }
0xa6: {  	s26 =	simm.s32 $execute0_lowered;
	[smem:$0x3FD2] =	sst s25  }
0xa7: {  	s6 =	sshll.u32 s26, $0x1;
	_ =	strace $0x80000046;
	[dreg:$0x1] =	wrdreg $0xFFFFFFFF  }
0xa8: {  	s28 =	simm.s32 $_size_execute0_lowered;
	s4 =	sadd.s32 s4, s6;
	[dreg:$0x0] =	wrdreg $0x0  }
0xa9: {  	s6 =	sshll.u32 s28, $0x1;
	[dreg:$0x2] =	wrdreg s4  }
0xaa: {  	[dreg:$0x3] =	wrdreg s6  }
0xab: {  	[dreg:$0x4] =	wrdreg $0xC0  }
0xac: {  	_ =	task [dreg:s8], $0x5FFFF  }
0xad: {  	[dreg:$0x1] =	wrdreg $0xFFFFFFFF  }
0xae: {  	[dreg:$0x0] =	wrdreg $0x60  }
0xaf: {  	[dreg:$0x2] =	wrdreg s18  }
0xb0: {  	[dreg:$0x3] =	wrdreg s24  }
0xb1: {  	[dreg:$0x4] =	wrdreg s2  }
0xb2: {  	[dreg:$0x5] =	wrdreg $0x9  }
0xb3: {  	_ =	task.clear_ibuf [dreg:s8], $0x6FFFF;
	_ =	strace $0x90000046  }
0xb4: {  	s29 =	simm.s32 $0x9;
	_ =	strace $0x80000048  }
0xb5: {  	_ =	swait.ge [sflag:s29], $0x1  }
0xb6: {  	[sflag:s29] =	ssyncadd.s32 $0xFFFFFFFF  }
0xb7: {  	_ =	strace $0x90000048  }
0xb8: {  	_ =	sfence  }
0xb9: {  	s30 =	sld [smem:$0x0];
	_ =	sdelay $0x2  }
0xba: {  	s31 =	sshll.u32 s1, $0xD;
	s1 =	sshrl.u32 s1, $0x2  }
0xbb: {  	s3 =	sand.u32 $0x4000, s31;
	s1 =	sadd.s32 s1, s30  }
0xbc: {  	s0 =	sor.u32 s3, s0;
	s1 =	sshll.u32 s1, $0x11  }
0xbd: {  	s0 =	sor.u32 s1, s0  }
0xbe: {  	s0 =	sadd.s32 $0x8F2B, s0  }
0xbf: {  	[sflag:s0] =	ssyncadd.remote.s32 $0x1  }
0xc0: {  	_ =	sfence.sel $0xFFFF  }
0xc1: {  	[dreg:$0x0] =	wrdreg $0xFFFFFFFF;
	(pc) =	sbr.abs _section_cstart, $3  }
0xc2: {  	[dreg:$0x1] =	wrdreg $0xFFFFFFFF  }
0xc3: {  	_ =	task.clear_ibuf [dreg:s8], $0x2FFFF;
	_ =	strace $0x9FFFFFFF  }
0xc4: {  	(tm) =	ssettm $0x7FFFFFFF  }
0xc5: {  	_ =	shalt  }
tec
execute0_lowered:
.L_overlay_start_1:
0x0: {  	(tag) =	ssettag $0x1  }
0x1: {  	s1 =	rddreg [dreg:$0x0];
	v0 =	vimm.s32 $0x2380;
	vm0 =	vcmask $0x300  }
0x2: {  	s0 =	rddreg [dreg:$0x1];
	s2 =	srdreg.scid;
	vm1 =	vcmask $0x704;
	v1 =	vimm.s32 $0x2383;
	vm2 =	vcmask $0xB08  }
0x3: {  	s20 =	stileid.u32;
	s10 =	rddreg [dreg:$0x2];
	vm4 =	vcmask $0xF0C;
	v0 =	vsel vm0, $0x0, v0;
	v1 =	vsel vm0, $0x3, v1  }
0x4: {  	s3 =	simm.s32 $0x0;
	vm5 =	vcmask $0x1310;
	s15 =	simm.s32 $0x2000;
	s17 =	simm.s32 $0x2;
	v0 =	vsel vm1, $0x80, v0;
	v1 =	vsel vm1, $0x83, v1  }
0x5: {  	vm6 =	vcmask $0x1714;
	s18 =	simm.s32 $0x4000;
	s19 =	simm.s32 $0xC000;
	s21 =	simm.s32 $0x4;
	v0 =	vsel vm2, $0x100, v0;
	v1 =	vsel vm2, $0x103, v1  }
0x6: {  	vm7 =	vcmask $0x1B18;
	s22 =	simm.s32 $0x1;
	s23 =	simm.s32 $0x8000;
	s24 =	simm.s32 $0x14000;
	v0 =	vsel vm4, $0x180, v0;
	v1 =	vsel vm4, $0x183, v1  }
0x7: {  	vm8 =	vcmask $0x1F1C;
	s25 =	simm.s32 $0x5;
	s29 =	simm.s32 $0x10000;
	s30 =	simm.s32 $0x0;
	v0 =	vsel vm5, $0x200, v0;
	v1 =	vsel vm5, $0x203, v1  }
0x8: {  	vm9 =	vcmask $0x2320;
	s2 =	sand.u32 $0x1, s2;
	s4 =	sshll.u32 s20, $0x1;
	[smem:$0x7FF] =	sst s3;
	v0 =	vsel vm6, $0x280, v0;
	v1 =	vsel vm6, $0x283, v1  }
0x9: {  	vm10 =	vcmask $0x2724;
	s12 =	sshll.u32 s20, $0xC;
	p0 =	sgt.u32 s20, $0xC;
	s20 =	simm.s32 $0x3;
	v0 =	vsel vm7, $0x300, v0;
	v1 =	vsel vm7, $0x303, v1  }
0xa: {  	vm11 =	vcmask $0x2B28;
	s4 =	sor.u32 s2, s4;
	_ =	strace $0x80000047;
	s2 =	ssub.s32 $0x2, s2;
	v0 =	vsel vm8, $0x380, v0;
	v1 =	vsel vm8, $0x383, v1  }
0xb: {  	vm12 =	vcmask $0x2F2C;
	s12 =	sand.u32 $0xC000, s12;
	s5 =	sshll.u32 s4, $0x8;
	s6 =	sshll.u32 s4, $0xB;
	v0 =	vsel vm9, $0x2000, v0;
	v1 =	vsel vm9, $0x2003, v1  }
0xc: {  	vm13 =	vcmask $0x3330;
	s7 =	smul.u32 $0x187000, s4;
	s28 =	sshrl.u32 s2, $0x1;
	s31 =	sshll.u32 s4, $0xA;
	v0 =	vsel vm10, $0x2080, v0;
	v1 =	vsel vm10, $0x2083, v1  }
0xd: {  	vm14 =	vcmask $0x3734;
	s16 =	smul.u32 $0x18700, s4;
	s14 =	sshll.u32 s4, $0x4;
	s12 =	sadd.s32 s10, s12;
	v0 =	vsel vm11, $0x2100, v0;
	v1 =	vsel vm11, $0x2103, v1  }
0xe: {  	vm15 =	vcmask $0x3B38;
	s11 =	sadd.s32 s5, s0;
	s5 =	sadd.s32 $0x3000, s0;
	s0 =	sadd.s32 s6, s0;
	v0 =	vsel vm12, $0x2180, v0;
	v1 =	vsel vm12, $0x2183, v1  }
.Ltmp0:
0xf: {  	s2 =	ssub.s32 s2, s28;
	s6 =	sadd.s32 s1, s31;
	v2 =	vsel vm13, $0x2200, v0;
	v0 =	vmov s16;
	v1 =	vsel vm13, $0x2203, v1;
	(pc) =	sbr.rel .LBB2_1-.Ltmp0, $4  }
0x10: {  	s14 =	sand.u32 $0x70, s14;
	s9 =	sshrl.u32 s7, $0x3;
	s7 =	sor.u32 $0x20, s4;
	v2 =	vsel vm14, $0x2280, v2;
	v3 =	vsel vm14, $0x2283, v1;
	v1 =	vlaneseq.u32  }
0x11: {  	s10 =	sadd.s32 $0x1600, s11;
	s8 =	sadd.s32 s1, s9;
	s13 =	sadd.s32 s5, s9;
	v2 =	vsel vm15, $0x2300, v2;
	v3 =	vsel vm15, $0x2303, v3;
	v4 =	vor.u32 $0x10, v1  }
0x12: {  	s12 =	sadd.s32 s14, s12;
	s8 =	sadd.s32 $0x18400, s8;
	s9 =	sadd.s32 $0x30800, s13;
	v5 =	vor.u32 $0x20, v1;
	v6 =	vor.u32 $0x30, v1;
	v7 =	vor.u32 $0x40, v1  }
0x13: {  	s14 =	smax.u32 s2, $0x1;
	s11 =	sadd.s32 $0x30D00, s13;
	s13 =	sadd.s32 $0x4F9C00, s0;
	v8 =	vor.u32 $0x50, v1;
	v9 =	vor.u32 $0x60, v1;
	v10 =	vor.u32 $0x70, v1  }
.LBB2_17:
0x14: {  	[tilespmem:s0+$0xFFFFFFE0] =	vst v16;
	v12 =	vadd.s32 v0, v12  }
0x15: {  	v11 =	vadd.s32 v0, v11;
	[tilespmem:s0+$0x0] =	vst v12  }
0x16: {  	v63 =	vadd.s32 v0, v15;
	[tilespmem:s0+$0x10] =	vst v11  }
0x17: {  	v11 =	vadd.s32 v0, v13;
	[tilespmem:s0+$0xFFFFFFF0] =	vst v63  }
0x18: {  	[tilespmem:s0+$0x20] =	vst v11;
	v11 =	vadd.s32 v0, v14  }
0x19: {  	[tilespmem:s0+$0x30] =	vst v11  }
0x1a: {  	[hbm4b:s13+s3] =	stream.linear.scatter [tilespmem:s29], [sflag:$0x5], $0x4000, $0x38;
	[tilespmem:$0x14800] =	vst v63  }
0x1b: {  	_ =	swait.ge [sflag:s25], $0x4000  }
0x1c: {  	[sflag:s25] =	ssyncset.done $0x0  }
0x1d: {  	[sflag:s25] =	ssyncadd.s32 $0xFFFFC000  }
0x1e: {  	_ =	swait.ge [sflag:s20], $0x2800  }
0x1f: {  	[sflag:s20] =	ssyncset.done $0x0  }
0x20: {  	[sflag:s20] =	ssyncadd.s32 $0xFFFFD800  }
0x21: {  	_ =	swait.ge [sflag:s21], $0x800  }
0x22: {  	[sflag:s21] =	ssyncset.done $0x0  }
0x23: {  	[sflag:s21] =	ssyncadd.s32 $0xFFFFF800  }
.LBB2_18:
0x24: {  	s30 =	sadd.s32 $0x1, s30  }
0x25: {  	p1 =	sne.s32 s30, s14  }
.Ltmp1:
0x26: {  	_ = 	snop;
	(pc) =	sbr.rel @!p1 .LBB2_19-.Ltmp1, $1  }
0x27: {  	_ =	sdelay $0x3  }
.LBB2_1:
.Ltmp2:
0x28: {  	(pc) =	sbr.rel .LBB2_2-.Ltmp2, $3  }
0x29: {  	_ =	sdelay $0x1  }
0x2a: {  	s0 =	simm.s32 $0xC3800;
	s31 =	simm.s32 $0x0  }
0x2b: {  	[tilespmem:s3], [sflag:$0x1] =	stream.strided.gather [hbm4b:s6+s15], $0x4000, s0, s15, $0x38;
	[tilespmem:$0x14800] =	vst v63  }
.LBB2_9:
0x2c: {  	s31 =	sadd.s32 $0x1, s31  }
0x2d: {  	p1 =	sne.s32 s31, $0x4F  }
.Ltmp3:
0x2e: {  	_ = 	snop;
	(pc) =	sbr.rel @!p1 .LBB2_10-.Ltmp3, $1  }
0x2f: {  	_ =	sdelay $0x3  }
.LBB2_2:
0x30: {  	s2 =	sand.u32 $0x1, s31  }
0x31: {  	p1 =	seq.s32 s2, $0x1  }
.Ltmp4:
0x32: {  	_ = 	snop;
	(pc) =	sbr.rel @p1 .LBB2_6-.Ltmp4, $1  }
0x33: {  	_ =	sdelay $0x3  }
0x34: {  	p1 =	seq.s32 s31, $0x4E  }
0x35: {  	s0 =	sshll.u32 @!p1 s31, $0x5  }
0x36: {  	s0 =	sor.u32 @!p1 s7, s0  }
0x37: {  	s0 =	smin.u32 @!p1 s0, $0x9D9  }
0x38: {  	s26 =	smulhi.u32 @!p1 $0x2A3A0FE, s0;
	_ =	sdelay $0x1  }
0x39: {  	s28 =	smul.u32 @!p1 $0x61, s26;
	_ =	sdelay $0x1  }
0x3a: {  	s26 =	smul.u32 @!p1 $0x187000, s26;
	s0 =	ssub.s32 @!p1 s0, s28  }
0x3b: {  	s0 =	sshll.u32 @!p1 s0, $0xD  }
0x3c: {  	s0 =	sadd.s32 @!p1 s0, s26  }
0x3d: {  	v11 =	vimm.s32 $0x0;
	s16 =	simm.s32 @!p1 $0x4000;
	s0 =	sshrl.u32 @!p1 s0, $0x3  }
0x3e: {  	v12 =	vshll.u32 v11, $0x3;
	s28 =	simm.s32 @!p1 $0xC3800;
	s26 =	simm.s32 @!p1 $0x2000;
	s0 =	sadd.s32 @!p1 s1, s0  }
0x3f: {  	v13 =	vand.u32 $0x78, v11;
	v12 =	vand.u32 $0xFFFFFC00, v12;
	[tilespmem:s16], [sflag:$0x2] =	stream.strided.gather @!p1 [hbm4b:s0+s26], $0x4000, s28, s26, $0x38;
	[tilespmem:$0x14800] =	vst v63  }
0x40: {  	v13 =	vor.u32 v13, v12;
	_ =	swait.ge [sflag:s22], $0x4000  }
0x41: {  	v14 =	vadd.s32 v2, v13;
	p1 =	slt.u32 s31, $0x2;
	[sflag:s22] =	ssyncset.done $0x0  }
0x42: {  	v15 =	vor.u32 $0x7, v14;
	s0 =	simm.s32 @!p1 $0x3;
	[sflag:s22] =	ssyncadd.s32 $0xFFFFC000  }
0x43: {  	v16 =	vor.u32 $0x1, v14;
	_ =	swait.ge @!p1 [sflag:s0], $0x4000  }
0x44: {  	v17 =	vor.u32 $0x2, v14;
	[sflag:s0] =	ssyncset.done @!p1 $0x0  }
0x45: {  	v25 =	vadd.s32 $0x8, v11;
	v20 =	vor.u32 $0x4, v14;
	[sflag:s0] =	ssyncadd.s32 @!p1 $0xFFFFC000  }
0x46: {  	v11 =	vshll.u32 v25, $0x3;
	v21 =	vor.u32 $0x5, v14;
	v12 =	vld.idx.msk [tilespmem:v14+s3+$0x0], $0xffff  }
0x47: {  	v11 =	vand.u32 $0xFFFFFC00, v11;
	v28 =	vadd.s32 v3, v13;
	v13 =	vand.u32 $0x78, v25;
	v27 =	vld.idx.msk [tilespmem:v15+s3+$0x0], $0xffff  }
0x48: {  	v11 =	vor.u32 v13, v11;
	v14 =	vor.u32 $0x6, v14;
	v18 =	vld.idx.msk [tilespmem:v16+s3+$0x0], $0xffff  }
0x49: {  	v13 =	vadd.s32 v2, v11;
	v19 =	vld.idx.msk [tilespmem:v17+s3+$0x0], $0xffff  }
0x4a: {  	v26 =	vor.u32 $0x7, v13;
	v22 =	vld.idx.msk [tilespmem:v20+s3+$0x0], $0xffff  }
0x4b: {  	v20 =	vor.u32 $0x1, v13;
	v23 =	vld.idx.msk [tilespmem:v21+s3+$0x0], $0xffff  }
0x4c: {  	v25 =	vadd.s32 $0x8, v25;
	v11 =	vadd.s32 v3, v11;
	s0 =	simm.s32 $0x8040;
	v17 =	vor.u32 $0x2, v13;
	v21 =	vld.idx.msk [tilespmem:v28+s3+$0x0], $0xffff  }
0x4d: {  	s26 =	simm.s32 $0x8;
	v16 =	vor.u32 $0x4, v13;
	v15 =	vor.u32 $0x5, v13;
	v24 =	vld.idx.msk [tilespmem:v14+s3+$0x0], $0xffff;
	v14 =	vor.u32 $0x6, v13;
	[tilespmem:s0+$0x30] =	vst v27  }
.LBB2_4:
0x4e: {  	v27 =	vshll.u32 v25, $0x3;
	s26 =	sadd.s32 $0x8, s26;
	v28 =	vld.idx.msk [tilespmem:v13+s3+$0x0], $0xffff;
	[tilespmem:s0+$0xFFFFFFD0] =	vst v18  }
0x4f: {  	v13 =	vand.u32 $0x78, v25;
	v18 =	vand.u32 $0xFFFFFC00, v27;
	p1 =	slt.u32 s26, $0x3F8;
	v27 =	vld.idx.msk [tilespmem:v26+s3+$0x0], $0xffff;
	[tilespmem:s0+$0xFFFFFFE0] =	vst v19  }
0x50: {  	v19 =	vor.u32 v13, v18;
	v18 =	vld.idx.msk [tilespmem:v20+s3+$0x0], $0xffff;
	[tilespmem:s0+$0x0] =	vst v22  }
.Ltmp5:
0x51: {  	v13 =	vadd.s32 v2, v19;
	v29 =	vadd.s32 v3, v19;
	v19 =	vld.idx.msk [tilespmem:v17+s3+$0x0], $0xffff;
	[tilespmem:s0+$0x10] =	vst v23;
	(pc) =	sbr.rel @p1 .LBB2_4-.Ltmp5, $4  }
0x52: {  	v20 =	vor.u32 $0x1, v13;
	v17 =	vor.u32 $0x2, v13;
	v26 =	vor.u32 $0x7, v13;
	v22 =	vld.idx.msk [tilespmem:v16+s3+$0x0], $0xffff;
	[tilespmem:s0+$0x20] =	vst v24  }
0x53: {  	v16 =	vor.u32 $0x4, v13;
	v30 =	vor.u32 $0x6, v13;
	v23 =	vld.idx.msk [tilespmem:v15+s3+$0x0], $0xffff;
	v15 =	vor.u32 $0x5, v13;
	[tilespmem:s0+$0xFFFFFFC0] =	vst v12  }
0x54: {  	v12 =	vmov v28;
	v24 =	vld.idx.msk [tilespmem:v14+s3+$0x0], $0xffff;
	[tilespmem:s0+$0xFFFFFFF0] =	vst v21;
	s0 =	sadd.s32 $0x80, s0;
	v14 =	vmov v30  }
0x55: {  	v25 =	vadd.s32 $0x8, v25;
	v21 =	vld.idx.msk [tilespmem:v11+s3+$0x0], $0xffff;
	[tilespmem:s0+$0x30] =	vst v27;
	v11 =	vmov v29  }
0x56: {  	_ =	sdelay $0x1  }
0x57: {  	[tilespmem:s0+$0xFFFFFFD0] =	vst v18  }
0x58: {  	[tilespmem:s0+$0xFFFFFFE0] =	vst v19  }
0x59: {  	v61 =	vld.idx.msk [tilespmem:v26+s3+$0x0], $0xffff;
	[tilespmem:s0+$0xFFFFFFC0] =	vst v12  }
0x5a: {  	v62 =	vld.idx.msk [tilespmem:v20+s3+$0x0], $0xffff;
	[tilespmem:s0+$0x0] =	vst v22  }
0x5b: {  	v17 =	vld.idx.msk [tilespmem:v17+s3+$0x0], $0xffff;
	s16 =	sshll.u32 s31, $0x5;
	[tilespmem:s0+$0x10] =	vst v23  }
0x5c: {  	v16 =	vld.idx.msk [tilespmem:v16+s3+$0x0], $0xffff;
	s16 =	sor.u32 s4, s16;
	[tilespmem:s0+$0x20] =	vst v24  }
0x5d: {  	v63 =	vld.idx.msk [tilespmem:v15+s3+$0x0], $0xffff;
	s16 =	smin.u32 s16, $0x9D9;
	[tilespmem:s0+$0xFFFFFFF0] =	vst v21;
	s0 =	sadd.s32 $0x80, s0  }
0x5e: {  	v14 =	vld.idx.msk [tilespmem:v14+s3+$0x0], $0xffff;
	s26 =	smulhi.u32 $0x2A3A0FE, s16;
	[tilespmem:s0+$0x30] =	vst v61  }
0x5f: {  	v13 =	vld.idx.msk [tilespmem:v13+s3+$0x0], $0xffff;
	[tilespmem:s0+$0xFFFFFFD0] =	vst v62  }
0x60: {  	v11 =	vld.idx.msk [tilespmem:v11+s3+$0x0], $0xffff;
	[tilespmem:s0+$0xFFFFFFE0] =	vst v17;
	s28 =	smul.u32 $0x61, s26  }
0x61: {  	p1 =	seq.s32 s2, $0x0;
	[tilespmem:s0+$0x0] =	vst v16;
	s26 =	smul.u32 $0x30E00, s26  }
.Ltmp6:
0x62: {  	[tilespmem:s0+$0x10] =	vst v63;
	s16 =	ssub.s32 s16, s28;
	(pc) =	sbr.rel @p1 .LBB2_9-.Ltmp6, $4  }
0x63: {  	[tilespmem:s0+$0x20] =	vst v14;
	s16 =	sshll.u32 s16, $0xB  }
0x64: {  	[tilespmem:s0+$0xFFFFFFC0] =	vst v13;
	s16 =	sadd.s32 s26, s16  }
0x65: {  	[tilespmem:s0+$0xFFFFFFF0] =	vst v11;
	s28 =	sadd.s32 s5, s16  }
0x66: {  	[hbm4b:s28+s3] =	stream.linear.scatter [tilespmem:s23], [sflag:$0x3], $0x4000, $0x38;
	[tilespmem:$0x14800] =	vst v63  }
.LBB2_6:
0x67: {  	p1 =	seq.s32 s31, $0x4E  }
0x68: {  	s0 =	sshll.u32 @!p1 s31, $0x5  }
0x69: {  	s0 =	sadd.s32 @!p1 s7, s0  }
0x6a: {  	s0 =	smin.u32 @!p1 s0, $0x9D9  }
0x6b: {  	s2 =	smulhi.u32 @!p1 $0x2A3A0FE, s0;
	_ =	sdelay $0x1  }
0x6c: {  	s16 =	smul.u32 @!p1 $0x61, s2;
	_ =	sdelay $0x1  }
0x6d: {  	s2 =	smul.u32 @!p1 $0x187000, s2;
	s0 =	ssub.s32 @!p1 s0, s16  }
0x6e: {  	s0 =	sshll.u32 @!p1 s0, $0xD  }
0x6f: {  	s0 =	sadd.s32 @!p1 s0, s2  }
0x70: {  	v11 =	vimm.s32 $0x0;
	s26 =	simm.s32 @!p1 $0x0;
	s0 =	sshrl.u32 @!p1 s0, $0x3  }
0x71: {  	v12 =	vshll.u32 v11, $0x3;
	s16 =	simm.s32 @!p1 $0xC3800;
	s2 =	simm.s32 @!p1 $0x2000;
	s0 =	sadd.s32 @!p1 s1, s0  }
0x72: {  	v13 =	vand.u32 $0x78, v11;
	v12 =	vand.u32 $0xFFFFFC00, v12;
	[tilespmem:s26], [sflag:$0x1] =	stream.strided.gather @!p1 [hbm4b:s0+s2], $0x4000, s16, s2, $0x38;
	[tilespmem:$0x14800] =	vst v63  }
0x73: {  	v13 =	vor.u32 v13, v12;
	_ =	swait.ge [sflag:s17], $0x4000  }
0x74: {  	v14 =	vadd.s32 v2, v13;
	p1 =	slt.u32 s31, $0x2;
	[sflag:s17] =	ssyncset.done $0x0  }
0x75: {  	v15 =	vor.u32 $0x7, v14;
	s0 =	simm.s32 @!p1 $0x4;
	[sflag:s17] =	ssyncadd.s32 $0xFFFFC000  }
0x76: {  	v16 =	vor.u32 $0x1, v14;
	_ =	swait.ge @!p1 [sflag:s0], $0x4000  }
0x77: {  	v17 =	vor.u32 $0x2, v14;
	[sflag:s0] =	ssyncset.done @!p1 $0x0  }
0x78: {  	v25 =	vadd.s32 $0x8, v11;
	v20 =	vor.u32 $0x4, v14;
	[sflag:s0] =	ssyncadd.s32 @!p1 $0xFFFFC000  }
0x79: {  	v11 =	vshll.u32 v25, $0x3;
	v21 =	vor.u32 $0x5, v14;
	v12 =	vld.idx.msk [tilespmem:v14+s18+$0x0], $0xffff  }
0x7a: {  	v11 =	vand.u32 $0xFFFFFC00, v11;
	v28 =	vadd.s32 v3, v13;
	v13 =	vand.u32 $0x78, v25;
	v27 =	vld.idx.msk [tilespmem:v15+s18+$0x0], $0xffff  }
0x7b: {  	v11 =	vor.u32 v13, v11;
	v14 =	vor.u32 $0x6, v14;
	v18 =	vld.idx.msk [tilespmem:v16+s18+$0x0], $0xffff  }
0x7c: {  	v13 =	vadd.s32 v2, v11;
	v19 =	vld.idx.msk [tilespmem:v17+s18+$0x0], $0xffff  }
0x7d: {  	v26 =	vor.u32 $0x7, v13;
	v22 =	vld.idx.msk [tilespmem:v20+s18+$0x0], $0xffff  }
0x7e: {  	v20 =	vor.u32 $0x1, v13;
	v23 =	vld.idx.msk [tilespmem:v21+s18+$0x0], $0xffff  }
0x7f: {  	v25 =	vadd.s32 $0x8, v25;
	v11 =	vadd.s32 v3, v11;
	s0 =	simm.s32 $0xC040;
	v17 =	vor.u32 $0x2, v13;
	v21 =	vld.idx.msk [tilespmem:v28+s18+$0x0], $0xffff  }
0x80: {  	s2 =	simm.s32 $0x8;
	v16 =	vor.u32 $0x4, v13;
	v15 =	vor.u32 $0x5, v13;
	v24 =	vld.idx.msk [tilespmem:v14+s18+$0x0], $0xffff;
	v14 =	vor.u32 $0x6, v13;
	[tilespmem:s0+$0x30] =	vst v27  }
.LBB2_7:
0x81: {  	v27 =	vshll.u32 v25, $0x3;
	s2 =	sadd.s32 $0x8, s2;
	v28 =	vld.idx.msk [tilespmem:v13+s18+$0x0], $0xffff;
	[tilespmem:s0+$0xFFFFFFD0] =	vst v18  }
0x82: {  	v13 =	vand.u32 $0x78, v25;
	v18 =	vand.u32 $0xFFFFFC00, v27;
	p1 =	slt.u32 s2, $0x3F8;
	v27 =	vld.idx.msk [tilespmem:v26+s18+$0x0], $0xffff;
	[tilespmem:s0+$0xFFFFFFE0] =	vst v19  }
0x83: {  	v19 =	vor.u32 v13, v18;
	v18 =	vld.idx.msk [tilespmem:v20+s18+$0x0], $0xffff;
	[tilespmem:s0+$0x0] =	vst v22  }
.Ltmp7:
0x84: {  	v13 =	vadd.s32 v2, v19;
	v29 =	vadd.s32 v3, v19;
	v19 =	vld.idx.msk [tilespmem:v17+s18+$0x0], $0xffff;
	[tilespmem:s0+$0x10] =	vst v23;
	(pc) =	sbr.rel @p1 .LBB2_7-.Ltmp7, $4  }
0x85: {  	v20 =	vor.u32 $0x1, v13;
	v17 =	vor.u32 $0x2, v13;
	v26 =	vor.u32 $0x7, v13;
	v22 =	vld.idx.msk [tilespmem:v16+s18+$0x0], $0xffff;
	[tilespmem:s0+$0x20] =	vst v24  }
0x86: {  	v16 =	vor.u32 $0x4, v13;
	v30 =	vor.u32 $0x6, v13;
	v23 =	vld.idx.msk [tilespmem:v15+s18+$0x0], $0xffff;
	v15 =	vor.u32 $0x5, v13;
	[tilespmem:s0+$0xFFFFFFC0] =	vst v12  }
0x87: {  	v12 =	vmov v28;
	v24 =	vld.idx.msk [tilespmem:v14+s18+$0x0], $0xffff;
	[tilespmem:s0+$0xFFFFFFF0] =	vst v21;
	s0 =	sadd.s32 $0x80, s0;
	v14 =	vmov v30  }
0x88: {  	v25 =	vadd.s32 $0x8, v25;
	v21 =	vld.idx.msk [tilespmem:v11+s18+$0x0], $0xffff;
	[tilespmem:s0+$0x30] =	vst v27;
	v11 =	vmov v29  }
0x89: {  	_ =	sdelay $0x1  }
0x8a: {  	[tilespmem:s0+$0xFFFFFFD0] =	vst v18  }
0x8b: {  	[tilespmem:s0+$0xFFFFFFE0] =	vst v19  }
0x8c: {  	v61 =	vld.idx.msk [tilespmem:v26+s18+$0x0], $0xffff;
	[tilespmem:s0+$0xFFFFFFC0] =	vst v12  }
0x8d: {  	v62 =	vld.idx.msk [tilespmem:v20+s18+$0x0], $0xffff;
	[tilespmem:s0+$0x0] =	vst v22  }
0x8e: {  	v17 =	vld.idx.msk [tilespmem:v17+s18+$0x0], $0xffff;
	s2 =	sshll.u32 s31, $0x5;
	[tilespmem:s0+$0x10] =	vst v23  }
0x8f: {  	v16 =	vld.idx.msk [tilespmem:v16+s18+$0x0], $0xffff;
	s2 =	sor.u32 s4, s2;
	[tilespmem:s0+$0x20] =	vst v24  }
0x90: {  	v63 =	vld.idx.msk [tilespmem:v15+s18+$0x0], $0xffff;
	s28 =	sadd.s32 $0x80, s0;
	s2 =	smin.u32 s2, $0x9D9;
	[tilespmem:s0+$0xFFFFFFF0] =	vst v21  }
0x91: {  	v14 =	vld.idx.msk [tilespmem:v14+s18+$0x0], $0xffff;
	s16 =	smulhi.u32 $0x2A3A0FE, s2;
	[tilespmem:s28+$0x30] =	vst v61  }
0x92: {  	v13 =	vld.idx.msk [tilespmem:v13+s18+$0x0], $0xffff;
	[tilespmem:s28+$0xFFFFFFD0] =	vst v62  }
0x93: {  	v11 =	vld.idx.msk [tilespmem:v11+s18+$0x0], $0xffff;
	[tilespmem:s28+$0xFFFFFFE0] =	vst v17;
	s26 =	smul.u32 $0x61, s16  }
0x94: {  	[tilespmem:s28+$0x0] =	vst v16;
	s16 =	smul.u32 $0x30E00, s16  }
.Ltmp8:
0x95: {  	[tilespmem:s28+$0x10] =	vst v63;
	s2 =	ssub.s32 s2, s26;
	(pc) =	sbr.rel .LBB2_9-.Ltmp8, $4  }
0x96: {  	[tilespmem:s28+$0x20] =	vst v14;
	s2 =	sshll.u32 s2, $0xB  }
0x97: {  	[tilespmem:s28+$0xFFFFFFC0] =	vst v13;
	s2 =	sadd.s32 s16, s2  }
0x98: {  	[tilespmem:s28+$0xFFFFFFF0] =	vst v11;
	s28 =	sadd.s32 s5, s2  }
0x99: {  	[hbm4b:s28+s3] =	stream.linear.scatter [tilespmem:s19], [sflag:$0x4], $0x4000, $0x38;
	[tilespmem:$0x14800] =	vst v63  }
.LBB2_10:
0x9a: {  	_ =	swait.ge [sflag:s20], $0x4000  }
.Ltmp9:
0x9b: {  	[sflag:s20] =	ssyncset.done $0x0;
	(pc) =	sbr.rel @p0 .LBB2_18-.Ltmp9, $4  }
0x9c: {  	[sflag:s20] =	ssyncadd.s32 $0xFFFFC000  }
0x9d: {  	_ =	swait.ge [sflag:s21], $0x4000  }
0x9e: {  	[sflag:s21] =	ssyncset.done $0x0  }
0x9f: {  	[sflag:s21] =	ssyncadd.s32 $0xFFFFC000  }
0xa0: {  	v11 =	vimm.s32 $0x0  }
0xa1: {  	v12 =	vshll.u32 v11, $0x3  }
0xa2: {  	v13 =	vand.u32 $0x78, v11;
	v12 =	vand.u32 $0xFFFFFC00, v12  }
0xa3: {  	[tilespmem:s3], [sflag:$0x1] =	stream.linear.gather [hbm4b:s8+s3], $0x1400, $0x38;
	v12 =	vor.u32 v13, v12;
	[tilespmem:$0x14800] =	vst v63  }
0xa4: {  	s0 =	sadd.s32 $0x18700, s8;
	v13 =	vadd.s32 v2, v12  }
0xa5: {  	[tilespmem:s15], [sflag:$0x1] =	stream.linear.gather [hbm4b:s0+s3], $0x1400, $0x38;
	v28 =	vadd.s32 v3, v12;
	[tilespmem:$0x14800] =	vst v63  }
0xa6: {  	_ =	swait.ge [sflag:s22], $0x2800;
	v14 =	vor.u32 $0x7, v13  }
0xa7: {  	[sflag:s22] =	ssyncset.done $0x0;
	v15 =	vor.u32 $0x1, v13  }
0xa8: {  	v23 =	vadd.s32 $0x8, v11;
	v16 =	vor.u32 $0x2, v13;
	[sflag:s22] =	ssyncadd.s32 $0xFFFFD800;
	v17 =	vor.u32 $0x4, v13  }
0xa9: {  	v22 =	vor.u32 $0x5, v13;
	v24 =	vor.u32 $0x6, v13;
	v11 =	vld.idx.msk [tilespmem:v13+s3+$0x0], $0xffff;
	v13 =	vshll.u32 v23, $0x3  }
0xaa: {  	v25 =	vadd.s32 $0x8, v23;
	v12 =	vand.u32 $0x78, v23;
	v23 =	vld.idx.msk [tilespmem:v28+s3+$0x0], $0xffff;
	v13 =	vand.u32 $0xFFFFFC00, v13  }
0xab: {  	v27 =	vld.idx.msk [tilespmem:v14+s3+$0x0], $0xffff;
	v12 =	vor.u32 v12, v13  }
0xac: {  	v18 =	vld.idx.msk [tilespmem:v15+s3+$0x0], $0xffff;
	v13 =	vadd.s32 v2, v12  }
0xad: {  	v19 =	vld.idx.msk [tilespmem:v16+s3+$0x0], $0xffff;
	v26 =	vor.u32 $0x7, v13  }
0xae: {  	v21 =	vld.idx.msk [tilespmem:v17+s3+$0x0], $0xffff;
	v20 =	vor.u32 $0x1, v13  }
0xaf: {  	s0 =	simm.s32 $0x8040;
	v22 =	vld.idx.msk [tilespmem:v22+s3+$0x0], $0xffff;
	v12 =	vadd.s32 v3, v12;
	v17 =	vor.u32 $0x2, v13  }
0xb0: {  	s2 =	simm.s32 $0x8;
	v24 =	vld.idx.msk [tilespmem:v24+s3+$0x0], $0xffff;
	v16 =	vor.u32 $0x4, v13;
	v14 =	vor.u32 $0x5, v13;
	v15 =	vor.u32 $0x6, v13;
	[tilespmem:s0+$0x30] =	vst v27  }
.LBB2_12:
0xb1: {  	v27 =	vshll.u32 v25, $0x3;
	s2 =	sadd.s32 $0x8, s2;
	v28 =	vld.idx.msk [tilespmem:v13+s3+$0x0], $0xffff;
	[tilespmem:s0+$0xFFFFFFD0] =	vst v18  }
0xb2: {  	v13 =	vand.u32 $0x78, v25;
	v18 =	vand.u32 $0xFFFFFC00, v27;
	p1 =	slt.u32 s2, $0x278;
	v27 =	vld.idx.msk [tilespmem:v26+s3+$0x0], $0xffff;
	[tilespmem:s0+$0xFFFFFFE0] =	vst v19  }
0xb3: {  	v19 =	vor.u32 v13, v18;
	v18 =	vld.idx.msk [tilespmem:v20+s3+$0x0], $0xffff;
	[tilespmem:s0+$0x0] =	vst v21  }
.Ltmp10:
0xb4: {  	v13 =	vadd.s32 v2, v19;
	v29 =	vadd.s32 v3, v19;
	v19 =	vld.idx.msk [tilespmem:v17+s3+$0x0], $0xffff;
	[tilespmem:s0+$0x10] =	vst v22;
	(pc) =	sbr.rel @p1 .LBB2_12-.Ltmp10, $4  }
0xb5: {  	v20 =	vor.u32 $0x1, v13;
	v17 =	vor.u32 $0x2, v13;
	v26 =	vor.u32 $0x7, v13;
	v21 =	vld.idx.msk [tilespmem:v16+s3+$0x0], $0xffff;
	[tilespmem:s0+$0x20] =	vst v24  }
0xb6: {  	v16 =	vor.u32 $0x4, v13;
	v30 =	vor.u32 $0x6, v13;
	v22 =	vld.idx.msk [tilespmem:v14+s3+$0x0], $0xffff;
	v14 =	vor.u32 $0x5, v13;
	[tilespmem:s0+$0xFFFFFFC0] =	vst v11  }
0xb7: {  	v11 =	vmov v28;
	v24 =	vld.idx.msk [tilespmem:v15+s3+$0x0], $0xffff;
	[tilespmem:s0+$0xFFFFFFF0] =	vst v23;
	s0 =	sadd.s32 $0x80, s0;
	v15 =	vmov v30  }
0xb8: {  	v25 =	vadd.s32 $0x8, v25;
	v23 =	vld.idx.msk [tilespmem:v12+s3+$0x0], $0xffff;
	[tilespmem:s0+$0x30] =	vst v27;
	v12 =	vmov v29  }
0xb9: {  	_ =	sdelay $0x1  }
0xba: {  	[tilespmem:s0+$0xFFFFFFD0] =	vst v18  }
0xbb: {  	[tilespmem:s0+$0xFFFFFFE0] =	vst v19  }
0xbc: {  	v54 =	vld.idx.msk [tilespmem:v26+s3+$0x0], $0xffff;
	[tilespmem:s0+$0xFFFFFFC0] =	vst v11  }
0xbd: {  	v55 =	vld.idx.msk [tilespmem:v20+s3+$0x0], $0xffff;
	[tilespmem:s0+$0x0] =	vst v21  }
0xbe: {  	v17 =	vld.idx.msk [tilespmem:v17+s3+$0x0], $0xffff;
	[tilespmem:s0+$0x10] =	vst v22  }
0xbf: {  	v16 =	vld.idx.msk [tilespmem:v16+s3+$0x0], $0xffff;
	[tilespmem:s0+$0x20] =	vst v24  }
0xc0: {  	v11 =	vld.idx.msk [tilespmem:v14+s3+$0x0], $0xffff;
	s26 =	sadd.s32 $0x80, s0;
	[tilespmem:s0+$0xFFFFFFF0] =	vst v23  }
0xc1: {  	v56 =	vld.idx.msk [tilespmem:v15+s3+$0x0], $0xffff;
	[tilespmem:s26+$0x30] =	vst v54  }
0xc2: {  	v13 =	vld.idx.msk [tilespmem:v13+s3+$0x0], $0xffff;
	[tilespmem:s26+$0xFFFFFFD0] =	vst v55  }
0xc3: {  	v12 =	vld.idx.msk [tilespmem:v12+s3+$0x0], $0xffff;
	[tilespmem:s26+$0xFFFFFFE0] =	vst v17  }
0xc4: {  	[tilespmem:s26+$0x0] =	vst v16  }
0xc5: {  	[tilespmem:s26+$0x10] =	vst v11  }
0xc6: {  	[tilespmem:s26+$0x20] =	vst v56  }
0xc7: {  	[tilespmem:s26+$0xFFFFFFC0] =	vst v13  }
0xc8: {  	s28 =	simm.s32 $0x0;
	s16 =	simm.s32 $0x0;
	[tilespmem:s26+$0xFFFFFFF0] =	vst v12  }
0xc9: {  	[hbm4b:s9+s28] =	stream.linear.scatter [tilespmem:s23], [sflag:$0x3], $0x2800, $0x38;
	[tilespmem:$0x14800] =	vst v63  }
0xca: {  	v11 =	vor.u32 s16, v1  }
0xcb: {  	[tilespmem:s24], [sflag:$0x5] =	stream.linear.gather [hbm4b:s10+s28], $0x800, $0x38;
	[tilespmem:$0x14800] =	vst v63  }
0xcc: {  	_ =	swait.ge [sflag:s25], $0x800  }
0xcd: {  	[sflag:s25] =	ssyncset.done $0x0  }
0xce: {  	[sflag:s25] =	ssyncadd.s32 $0xFFFFF800  }
0xcf: {  	v11 =	vld.idx.msk [tilespmem:v11+s24+$0x0], $0xffff  }
0xd0: {  	v57 =	vor.u32 s16, v4;
	_ =	sdelay $0x2  }
0xd1: {  	s2 =	simm.s32 $0xC040  }
0xd2: {  	[tilespmem:s2+$0xFFFFFFC0] =	vst v11  }
0xd3: {  	v11 =	vld.idx.msk [tilespmem:v57+s24+$0x0], $0xffff  }
0xd4: {  	v58 =	vor.u32 s16, v5;
	_ =	sdelay $0x3  }
0xd5: {  	[tilespmem:s2+$0xFFFFFFD0] =	vst v11  }
0xd6: {  	v11 =	vld.idx.msk [tilespmem:v58+s24+$0x0], $0xffff  }
0xd7: {  	v59 =	vor.u32 s16, v6;
	_ =	sdelay $0x3  }
0xd8: {  	[tilespmem:s2+$0xFFFFFFE0] =	vst v11  }
0xd9: {  	v11 =	vld.idx.msk [tilespmem:v59+s24+$0x0], $0xffff  }
0xda: {  	v60 =	vor.u32 s16, v7;
	_ =	sdelay $0x3  }
0xdb: {  	[tilespmem:s2+$0xFFFFFFF0] =	vst v11  }
0xdc: {  	v11 =	vld.idx.msk [tilespmem:v60+s24+$0x0], $0xffff  }
0xdd: {  	v61 =	vor.u32 s16, v8;
	_ =	sdelay $0x3  }
0xde: {  	[tilespmem:s2+$0x0] =	vst v11  }
0xdf: {  	v11 =	vld.idx.msk [tilespmem:v61+s24+$0x0], $0xffff  }
0xe0: {  	v62 =	vor.u32 s16, v9;
	_ =	sdelay $0x3  }
0xe1: {  	[tilespmem:s2+$0x10] =	vst v11  }
0xe2: {  	v11 =	vld.idx.msk [tilespmem:v62+s24+$0x0], $0xffff  }
0xe3: {  	v63 =	vor.u32 s16, v10;
	_ =	sdelay $0x3  }
0xe4: {  	[tilespmem:s2+$0x20] =	vst v11  }
0xe5: {  	s31 =	simm.s32 $0x0;
	s0 =	simm.s32 $0x1;
	v11 =	vld.idx.msk [tilespmem:v63+s24+$0x0], $0xffff  }
.LBB2_14:
0xe6: {  	s26 =	sshll.u32 s0, $0x7;
	s31 =	sadd.s32 $0x8, s31  }
0xe7: {  	v12 =	vor.u32 s26, v1;
	p1 =	slt.u32 s31, $0x78;
	_ =	sdelay $0x3  }
0xe8: {  	[tilespmem:s2+$0x30] =	vst v11  }
0xe9: {  	v11 =	vld.idx.msk [tilespmem:v12+s24+$0x0], $0xffff;
	_ =	sdelay $0x1  }
0xea: {  	v12 =	vor.u32 s26, v4;
	_ =	sdelay $0x2  }
0xeb: {  	s2 =	sadd.s32 $0x80, s2  }
0xec: {  	[tilespmem:s2+$0xFFFFFFC0] =	vst v11  }
0xed: {  	v11 =	vld.idx.msk [tilespmem:v12+s24+$0x0], $0xffff;
	_ =	sdelay $0x1  }
0xee: {  	v12 =	vor.u32 s26, v5;
	_ =	sdelay $0x3  }
0xef: {  	[tilespmem:s2+$0xFFFFFFD0] =	vst v11  }
0xf0: {  	v11 =	vld.idx.msk [tilespmem:v12+s24+$0x0], $0xffff;
	_ =	sdelay $0x1  }
0xf1: {  	v12 =	vor.u32 s26, v6;
	_ =	sdelay $0x3  }
0xf2: {  	[tilespmem:s2+$0xFFFFFFE0] =	vst v11  }
0xf3: {  	v11 =	vld.idx.msk [tilespmem:v12+s24+$0x0], $0xffff;
	_ =	sdelay $0x1  }
0xf4: {  	v12 =	vor.u32 s26, v7;
	_ =	sdelay $0x3  }
0xf5: {  	[tilespmem:s2+$0xFFFFFFF0] =	vst v11  }
0xf6: {  	v11 =	vld.idx.msk [tilespmem:v12+s24+$0x0], $0xffff;
	_ =	sdelay $0x1  }
0xf7: {  	v12 =	vor.u32 s26, v8;
	_ =	sdelay $0x3  }
0xf8: {  	[tilespmem:s2+$0x0] =	vst v11  }
0xf9: {  	v11 =	vld.idx.msk [tilespmem:v12+s24+$0x0], $0xffff;
	_ =	sdelay $0x1  }
0xfa: {  	v12 =	vor.u32 s26, v9;
	_ =	sdelay $0x3  }
0xfb: {  	[tilespmem:s2+$0x10] =	vst v11  }
0xfc: {  	v11 =	vld.idx.msk [tilespmem:v12+s24+$0x0], $0xffff;
	_ =	sdelay $0x1  }
0xfd: {  	v12 =	vor.u32 s26, v10  }
.Ltmp11:
0xfe: {  	(pc) =	sbr.rel @p1 .LBB2_14-.Ltmp11, $3  }
0xff: {  	_ =	sdelay $0x1  }
0x100: {  	[tilespmem:s2+$0x20] =	vst v11  }
0x101: {  	s0 =	sadd.s32 $0x1, s0;
	v11 =	vld.idx.msk [tilespmem:v12+s24+$0x0], $0xffff  }
0x102: {  	_ =	sdelay $0x3  }
0x103: {  	[tilespmem:s2+$0x30] =	vst v11  }
0x104: {  	[hbm4b:s11+s3] =	stream.linear.scatter [tilespmem:s19], [sflag:$0x4], $0x800, $0x38;
	[tilespmem:$0x14800] =	vst v63  }
0x105: {  	s0 =	simm.s32 $0x80;
	s31 =	simm.s32 $0x400  }
0x106: {  	[tilespmem:s29], [sflag:$0x5] =	stream.strided.gather [hbm4b:s12+s0], $0x4000, s31, s0, $0x38;
	[tilespmem:$0x14800] =	vst v63  }
0x107: {  	_ =	swait.ge [sflag:s25], $0x4000  }
0x108: {  	[sflag:s25] =	ssyncset.done $0x0  }
0x109: {  	s0 =	simm.s32 $0x10040;
	[sflag:s25] =	ssyncadd.s32 $0xFFFFC000  }
0x10a: {  	v13 =	vld [tilespmem:s0+$0xFFFFFFC0]  }
0x10b: {  	v14 =	vld [tilespmem:s0+$0xFFFFFFD0]  }
0x10c: {  	v15 =	vld [tilespmem:s0+$0xFFFFFFE0]  }
0x10d: {  	v12 =	vld [tilespmem:s0+$0x0]  }
0x10e: {  	v11 =	vld [tilespmem:s0+$0x10]  }
0x10f: {  	v16 =	vadd.s32 v0, v13;
	v13 =	vld [tilespmem:s0+$0x20]  }
0x110: {  	[tilespmem:s0+$0xFFFFFFC0] =	vst v16;
	v16 =	vadd.s32 v0, v14;
	v14 =	vld [tilespmem:s0+$0x30]  }
0x111: {  	s26 =	simm.s32 $0x100C0;
	s2 =	simm.s32 $0x0;
	[tilespmem:s0+$0xFFFFFFD0] =	vst v16;
	v16 =	vadd.s32 v0, v15;
	v15 =	vld [tilespmem:s0+$0xFFFFFFF0]  }
.LBB2_16:
0x112: {  	v17 =	vld [tilespmem:s26+$0xFFFFFFC0];
	[tilespmem:s0+$0xFFFFFFE0] =	vst v16;
	v12 =	vadd.s32 v0, v12  }
0x113: {  	v11 =	vadd.s32 v0, v11;
	s2 =	sadd.s32 $0x8, s2;
	v16 =	vld [tilespmem:s26+$0xFFFFFFD0];
	[tilespmem:s0+$0x0] =	vst v12  }
0x114: {  	p1 =	slt.u32 s2, $0x3F8;
	v18 =	vld [tilespmem:s26+$0xFFFFFFE0];
	[tilespmem:s0+$0x10] =	vst v11;
	v11 =	vadd.s32 v0, v13  }
.Ltmp12:
0x115: {  	v13 =	vadd.s32 v0, v14;
	v12 =	vld [tilespmem:s26+$0x0];
	[tilespmem:s0+$0x20] =	vst v11;
	(pc) =	sbr.rel @p1 .LBB2_16-.Ltmp12, $4  }
0x116: {  	v14 =	vadd.s32 v0, v15;
	v11 =	vld [tilespmem:s26+$0x10];
	[tilespmem:s0+$0x30] =	vst v13  }
0x117: {  	v15 =	vadd.s32 v0, v17;
	v13 =	vld [tilespmem:s26+$0x20];
	[tilespmem:s0+$0xFFFFFFF0] =	vst v14;
	s0 =	smov.u32 s26  }
0x118: {  	[tilespmem:s26+$0xFFFFFFC0] =	vst v15;
	v15 =	vadd.s32 v0, v16;
	v14 =	vld [tilespmem:s26+$0x30]  }
0x119: {  	s26 =	sadd.s32 $0x80, s26;
	[tilespmem:s0+$0xFFFFFFD0] =	vst v15;
	v16 =	vadd.s32 v0, v18;
	v15 =	vld [tilespmem:s0+$0xFFFFFFF0]  }
.Ltmp13:
0x11a: {  	_ = 	snop;
	(pc) =	sbr.rel .LBB2_17-.Ltmp13, $1  }
0x11b: {  	_ =	sdelay $0x3  }
.LBB2_19:
0x11c: {  	_ =	sfence.sel $0x180000  }
0x11d: {  	[bflag:$0x0] =	sbarrier.arrive $0xFFFF  }
0x11e: {  	_ =	strace $0x90000047  }
0x11f: {  	s0 =	stileid.u32;
	[bflag:$0x2] =	sbarrier.arrive $0xFFFF  }
0x120: {  	p0 =	sne.s32 s0, $0x0;
	s0 =	rddreg [dreg:$0x3]  }
0x121: {  	s0 =	sadd.s32 @!p0 $0x100000, s0  }
0x122: {  	[sflag:s0] =	ssyncadd.tile.s32 @!p0 $0x1;
	_ =	shalt  }
.Lfunc_end2:
_tile_overlayer_lowered:
.L_overlay_start_2:
0x123: {  	(tag) =	ssettag $0x2  }
0x124: {  	s0 =	rddreg [dreg:$0x0];
	s2 =	stileid.u32  }
0x125: {  	s1 =	rddreg [dreg:$0x1];
	p0 =	sne.s32 s2, $0x0  }
0x126: {  	s3 =	rddreg [dreg:$0x2];
	[bflag:$0x3] =	sbarrier.arrive $0xFFFF;
	s2 =	simm.s32 @!p0 $0x1C05  }
0x127: {  	[timem:s3], [sflag:s2] =	dma.local @!p0 [hbm:s0], s1  }
0x128: {  	s0 =	simm.s32 @!p0 $0x5  }
0x129: {  	_ =	swait.ge @!p0 [sflag:s0], s1  }
0x12a: {  	s1 =	ssub.s32 @!p0 $0x0, s1;
	[sflag:s0] =	ssyncset.done @!p0 $0x0  }
0x12b: {  	[sflag:s0] =	ssyncadd.s32 @!p0 s1  }
0x12c: {  	[bflag:$0x3] =	sbarrier.arrive $0xFFFF  }
0x12d: {  	_ =	shalt  }

// kernel: kernel.9.cloned.1.call-start
scs
__scs_entry_jumppad:
0x0: {  	(pc) =	sbr.rel $0x88, $3  }
0x1: {  	(tag) =	ssettag $0x0;
	lr =	simm.s32 $0x1  }
0x2: {  	[smem:$0x3F9A] =	sst lr;
	_ =	strace $0xD0000000  }
0x3: {  	_ = 	snop  }
0x4: {  	_ = 	snop  }
0x5: {  	_ = 	snop  }
0x6: {  	_ = 	snop  }
0x7: {  	_ = 	snop  }
__scs_overlays_trampoline_lowered:
0x8: {  	[smem:$0x3FA9] =	sst s0  }
0x9: {  	[smem:$0x3FAA] =	sst s1  }
0xa: {  	[smem:$0x3FAB] =	sst s2  }
0xb: {  	[smem:$0x3FAC] =	sst s3  }
0xc: {  	[smem:$0x3FAD] =	sst s4  }
0xd: {  	[smem:$0x3FAE] =	sst s5  }
0xe: {  	[smem:$0x3FAF] =	sst s6  }
0xf: {  	[smem:$0x3FB0] =	sst s7  }
0x10: {  	[smem:$0x3FB1] =	sst s8  }
0x11: {  	[smem:$0x3FB2] =	sst s9;
	s0 =	simm.s32 @!p0 $0x0  }
0x12: {  	s1 =	sld [smem:$0x3F98];
	s0 =	simm.s32 @p0 $0x1  }
0x13: {  	[smem:$0x3FB3] =	sst s0;
	s0 =	simm.s32 @!p1 $0x0  }
0x14: {  	s2 =	sld [smem:$0x3F97];
	s0 =	simm.s32 @p1 $0x1  }
0x15: {  	[smem:$0x3FB4] =	sst s0;
	s0 =	simm.s32 @!p2 $0x0  }
0x16: {  	s3 =	sld [smem:$0x3FDB];
	s0 =	simm.s32 @p2 $0x1  }
0x17: {  	s4 =	simm.s32 $0x1BF5;
	[smem:$0x3FB6] =	sst s0  }
0x18: {  	s0 =	sld [smem:$0x3F99];
	_ =	swait.ge [sflag:s4], $0x0  }
0x19: {  	s7 =	sld [smem:$0x3F9A]  }
0x1a: {  	s8 =	sadd.s32 $0xFFFFE003, lr  }
0x1b: {  	s9 =	sadd.s32 $0xFFFFFEF7, lr;
	s5 =	simm.s32 $0xFFFFFFFF;
	p2 =	slt.u32 s8, $0xFFFFF086  }
0x1c: {  	p1 =	slt.u32 s9, $0xF7A;
	s5 =	simm.s32 @!p2 $0x0  }
0x1d: {  	s5 =	simm.s32 @p1 $0x1;
	p0 =	seq.s32 s7, s2  }
0x1e: {  	s7 =	smul.u32 @!p0 $0xF7A, s2;
	p2 =	seq.s32 @!p0 s5, $0x0  }
0x1f: {  	s9 =	smul.u32 $0xF7A, s1;
	s8 =	simm.s32 @!p0 $0x1BF5;
	p2 =	por !p2, p0  }
0x20: {  	[sflag:s8] =	ssyncset.s32 @!p0 $0xFFFFF086;
	s6 =	sadd.s32 @!p0 s3, s7;
	s7 =	simm.s32 @!p0 $0x108  }
0x21: {  	s3 =	sadd.s32 s3, s9;
	s6 =	sadd.s32 @!p0 $0x88, s6;
	s7 =	simm.s32 @p2 $0x1082  }
0x22: {  	[simem:s7], [sflag:s8] =	dma.local @!p0 [hbm:s6], $0xF7A  }
0x23: {  	s9 =	sor.u32 $0xD0000000, s2;
	s6 =	simm.s32 $0x108;
	_ =	swait.ge @!p0 [sflag:s8], $0x0  }
0x24: {  	s3 =	sadd.s32 $0x88, s3;
	s6 =	simm.s32 @!p1 $0x1082;
	[sflag:s4] =	ssyncset.s32 $0xFFFFF086  }
0x25: {  	[simem:s6], [sflag:s4] =	dma.local [hbm:s3], $0xF7A  }
0x26: {  	[smem:$0x3F9A] =	sst s1;
	(tag) =	ssettag s2;
	_ =	strace s9  }
0x27: {  	s1 =	sld [smem:$0x3FAA]  }
0x28: {  	s2 =	sld [smem:$0x3FAB]  }
0x29: {  	s4 =	sld [smem:$0x3FAD]  }
0x2a: {  	p0 =	seq.s32 s5, $0x0;
	s5 =	sld [smem:$0x3FAE]  }
0x2b: {  	s6 =	sld [smem:$0x3FAF]  }
0x2c: {  	s7 =	sld [smem:$0x3FB0]  }
0x2d: {  	s3 =	simm.s32 $0x108;
	s8 =	sld [smem:$0x3FB1]  }
0x2e: {  	s3 =	simm.s32 @!p0 $0x1082;
	s9 =	sld [smem:$0x3FB2]  }
0x2f: {  	lr =	sadd.s32 s0, s3;
	s0 =	sld [smem:$0x3FA9]  }
0x30: {  	s3 =	sld [smem:$0x3FAC]  }
0x31: {  	[smem:$0x3FB5] =	sst s10  }
0x32: {  	s10 =	sld [smem:$0x3FB3];
	_ =	sdelay $0x3  }
0x33: {  	p0 =	seq.s32 s10, $0x1;
	s10 =	sld [smem:$0x3FB5];
	_ =	sdelay $0x3  }
0x34: {  	[smem:$0x3FB5] =	sst s10  }
0x35: {  	s10 =	sld [smem:$0x3FB4];
	_ =	sdelay $0x3  }
0x36: {  	p1 =	seq.s32 s10, $0x1;
	s10 =	sld [smem:$0x3FB5];
	_ =	sdelay $0x3  }
0x37: {  	[smem:$0x3FB5] =	sst s10  }
0x38: {  	s10 =	sld [smem:$0x3FB6]  }
0x39: {  	_ = 	snop;
	(pc) =	sbr.ind lr, $3  }
0x3a: {  	_ = 	snop  }
0x3b: {  	_ = 	snop  }
0x3c: {  	p2 =	seq.s32 s10, $0x1;
	s10 =	sld [smem:$0x3FB5]  }
0x3d: {  	_ =	shalt  }
0x3e: {  	_ =	shalt  }
0x3f: {  	_ =	shalt  }
0x40: {  	_ =	shalt  }
0x41: {  	_ =	shalt  }
0x42: {  	_ =	shalt  }
0x43: {  	_ =	shalt  }
0x44: {  	_ =	shalt  }
0x45: {  	_ =	shalt  }
0x46: {  	_ =	shalt  }
0x47: {  	_ =	shalt  }
0x48: {  	_ =	shalt  }
0x49: {  	_ =	shalt  }
0x4a: {  	_ =	shalt  }
0x4b: {  	_ =	shalt  }
0x4c: {  	_ =	shalt  }
0x4d: {  	_ =	shalt  }
0x4e: {  	_ =	shalt  }
0x4f: {  	_ =	shalt  }
0x50: {  	_ =	shalt  }
0x51: {  	_ =	shalt  }
0x52: {  	_ =	shalt  }
0x53: {  	_ =	shalt  }
0x54: {  	_ =	shalt  }
0x55: {  	_ =	shalt  }
0x56: {  	_ =	shalt  }
0x57: {  	_ =	shalt  }
0x58: {  	_ =	shalt  }
0x59: {  	_ =	shalt  }
0x5a: {  	_ =	shalt  }
0x5b: {  	_ =	shalt  }
0x5c: {  	_ =	shalt  }
0x5d: {  	_ =	shalt  }
0x5e: {  	_ =	shalt  }
0x5f: {  	_ =	shalt  }
0x60: {  	_ =	shalt  }
0x61: {  	_ =	shalt  }
0x62: {  	_ =	shalt  }
0x63: {  	_ =	shalt  }
0x64: {  	_ =	shalt  }
0x65: {  	_ =	shalt  }
0x66: {  	_ =	shalt  }
0x67: {  	_ =	shalt  }
0x68: {  	_ =	shalt  }
0x69: {  	_ =	shalt  }
0x6a: {  	_ =	shalt  }
0x6b: {  	_ =	shalt  }
0x6c: {  	_ =	shalt  }
0x6d: {  	_ =	shalt  }
0x6e: {  	_ =	shalt  }
0x6f: {  	_ =	shalt  }
0x70: {  	_ =	shalt  }
0x71: {  	_ =	shalt  }
0x72: {  	_ =	shalt  }
0x73: {  	_ =	shalt  }
0x74: {  	_ =	shalt  }
0x75: {  	_ =	shalt  }
0x76: {  	_ =	shalt  }
0x77: {  	_ =	shalt  }
0x78: {  	_ =	shalt  }
0x79: {  	_ =	shalt  }
0x7a: {  	_ =	shalt  }
0x7b: {  	_ =	shalt  }
0x7c: {  	_ =	shalt  }
0x7d: {  	_ =	shalt  }
0x7e: {  	_ =	shalt  }
0x7f: {  	_ =	shalt  }
0x80: {  	_ =	shalt  }
0x81: {  	_ =	shalt  }
0x82: {  	_ =	shalt  }
0x83: {  	_ =	shalt  }
0x84: {  	_ =	shalt  }
0x85: {  	_ =	shalt  }
0x86: {  	_ =	shalt  }
0x87: {  	_ =	shalt  }
.Lfunc_end0:
.L_simem_size_0:
called_computation.1_lowered:
.L_overlay_start_0:
0x88: {  	s2 =	sld [smem:$0x3FD9]  }
0x89: {  	s3 =	sld [smem:$0x3FFE];
	_ =	sdelay $0x1  }
0x8a: {  	s1 =	srdreg.scid  }
0x8b: {  	s0 =	sand.u32 $0x1, s1  }
0x8c: {  	s16 =	sshll.u32 s0, $0xA;
	s2 =	sadd.s32 s3, s2  }
0x8d: {  	s2 =	sadd.s32 s2, s16  }
0x8e: {  	[smem:$0x3FC1] =	sst s2  }
0x8f: {  	_ = 	snop  }
0x90: {  	(tm) =	ssettm $0x1  }
0x91: {  	s17 =	sld [smem:$0x3FFB];
	_ =	sdelay $0x3  }
0x92: {  	_ =	strace s17  }
0x93: {  	s2 =	sld [smem:$0x3FFC];
	_ =	sdelay $0x3  }
0x94: {  	_ =	strace s2  }
0x95: {  	s2 =	sld [smem:$0x3FFD];
	_ =	sdelay $0x3  }
0x96: {  	_ =	strace s2  }
0x97: {  	_ =	strace $0x8FFFFFFF  }
0x98: {  	s18 =	sld [smem:$0x3FDB];
	_ =	sdelay $0x1  }
0x99: {  	s19 =	simm.s32 $_scs_section_size  }
0x9a: {  	s4 =	simm.s32 $_size__tile_overlayer_lowered;
	s5 =	simm.s32 $_tile_overlayer_lowered  }
0x9b: {  	s22 =	simm.s32 $0x1BFF;
	s21 =	sshll.u32 s5, $0x1;
	s2 =	sadd.s32 s19, s18  }
0x9c: {  	s6 =	simm.s32 $0x0;
	s20 =	sshll.u32 s4, $0x1;
	s4 =	sadd.s32 s21, s2  }
0x9d: {  	[timem:s6], [sflag:s22] =	dma.local [hbm:s4], s20  }
0x9e: {  	_ =	swait.ge [sflag:s22], s20  }
0x9f: {  	s3 =	ssub.s32 $0x0, s20;
	[sflag:s22] =	ssyncset.done $0x0  }
0xa0: {  	[sflag:s22] =	ssyncadd.s32 s3;
	_ =	sdelay $0x1  }
0xa1: {  	s23 =	simm.s32 $0x1B8B  }
0xa2: {  	_ =	swait.ge [sflag:s23], $0x1  }
0xa3: {  	[sflag:s23] =	ssyncset.done $0x0  }
0xa4: {  	s25 =	simm.s32 $0x1B8E;
	s24 =	sld [smem:$0x3FFE];
	[sflag:s23] =	ssyncadd.s32 $0xFFFFFFFF  }
0xa5: {  	s26 =	simm.s32 $execute0_lowered;
	[smem:$0x3FD2] =	sst s25  }
0xa6: {  	s4 =	sshll.u32 s26, $0x1;
	_ =	strace $0x80000049;
	[dreg:$0x1] =	wrdreg $0xFFFFFFFF  }
0xa7: {  	s28 =	simm.s32 $_size_execute0_lowered;
	s2 =	sadd.s32 s2, s4;
	[dreg:$0x0] =	wrdreg $0x0  }
0xa8: {  	s4 =	sshll.u32 s28, $0x1;
	[dreg:$0x2] =	wrdreg s2  }
0xa9: {  	[dreg:$0x3] =	wrdreg s4  }
0xaa: {  	[dreg:$0x4] =	wrdreg $0xC0  }
0xab: {  	_ =	task [dreg:s6], $0x5FFFF  }
0xac: {  	[dreg:$0x1] =	wrdreg $0xFFFFFFFF  }
0xad: {  	[dreg:$0x0] =	wrdreg $0x60  }
0xae: {  	[dreg:$0x2] =	wrdreg s24  }
0xaf: {  	[dreg:$0x3] =	wrdreg $0x9  }
0xb0: {  	_ =	task.clear_ibuf [dreg:s6], $0x4FFFF;
	_ =	strace $0x90000049  }
0xb1: {  	s29 =	simm.s32 $0x9;
	_ =	strace $0x8000004B  }
0xb2: {  	_ =	swait.ge [sflag:s29], $0x1  }
0xb3: {  	[sflag:s29] =	ssyncadd.s32 $0xFFFFFFFF  }
0xb4: {  	_ =	strace $0x9000004B  }
0xb5: {  	_ =	sfence  }
0xb6: {  	s30 =	sld [smem:$0x0];
	_ =	sdelay $0x2  }
0xb7: {  	s31 =	sshll.u32 s1, $0xD;
	s1 =	sshrl.u32 s1, $0x2  }
0xb8: {  	s3 =	sand.u32 $0x4000, s31;
	s1 =	sadd.s32 s1, s30  }
0xb9: {  	s0 =	sor.u32 s3, s0;
	s1 =	sshll.u32 s1, $0x11  }
0xba: {  	s0 =	sor.u32 s1, s0  }
0xbb: {  	s0 =	sadd.s32 $0x8F2B, s0  }
0xbc: {  	[sflag:s0] =	ssyncadd.remote.s32 $0x1  }
0xbd: {  	_ =	sfence.sel $0xFFFF  }
0xbe: {  	[dreg:$0x0] =	wrdreg $0xFFFFFFFF;
	(pc) =	sbr.abs _section_cstart, $3  }
0xbf: {  	[dreg:$0x1] =	wrdreg $0xFFFFFFFF  }
0xc0: {  	_ =	task.clear_ibuf [dreg:s6], $0x2FFFF;
	_ =	strace $0x9FFFFFFF  }
0xc1: {  	(tm) =	ssettm $0x7FFFFFFF  }
tec
execute0_lowered:
.L_overlay_start_1:
0x0: {  	(tag) =	ssettag $0x1  }
0x1: {  	s0 =	stileid.u32  }
0x2: {  	s3 =	smul.u32 $0xD00, s0  }
0x3: {  	s7 =	smul.u32 $0x68000, s0  }
0x4: {  	s1 =	srdreg.scid;
	s9 =	smul.u32 $0x1A, s0  }
0x5: {  	s4 =	sand.u32 $0x1, s1;
	s14 =	smul.u32 $0x340000, s0  }
0x6: {  	s5 =	rddreg [dreg:$0x0];
	s2 =	simm.s32 $0x0;
	s6 =	smul.u32 $0x680, s4  }
0x7: {  	s15 =	simm.s32 $0x0;
	[smem:$0x7FF] =	sst s2;
	s8 =	smul.u32 $0x34000, s4  }
0x8: {  	s1 =	rddreg [dreg:$0x1];
	_ =	strace $0x8000004A;
	s12 =	smul.u32 $0xD, s4  }
0x9: {  	s11 =	ssub.s32 $0x2, s4;
	s31 =	smul.u32 $0x1A0000, s4;
	s4 =	sadd.s32 $0x506C00, s5  }
0xa: {  	s10 =	sadd.s32 s3, s5;
	s3 =	sadd.s32 $0x3000, s5;
	s13 =	sshrl.u32 s11, $0x1  }
0xb: {  	s11 =	ssub.s32 s11, s13;
	s6 =	sadd.s32 s6, s10;
	s7 =	sadd.s32 s8, s7  }
0xc: {  	s8 =	sadd.s32 s12, s9;
	s9 =	sadd.s32 s31, s14;
	s10 =	simm.s32 $0x2  }
0xd: {  	s12 =	simm.s32 $0x1;
	s13 =	simm.s32 $0x10;
	s14 =	simm.s32 $0x80  }
0xe: {  	s5 =	smax.u32 s11, $0x1;
	s6 =	sadd.s32 $0x4F9C00, s6;
	s11 =	simm.s32 $0x400  }
.LBB2_1:
0xf: {  	[tilespmem:s2], [sflag:$0x2] =	stream.linear.gather [hbm4b:s6+s2], $0x400, $0x38;
	[tilespmem:$0x4400] =	vst v63  }
0x10: {  	s16 =	sadd.s32 $0x0, s8;
	_ =	swait.ge [sflag:s10], $0x400  }
0x11: {  	s17 =	sand.u32 $0x1E0000, s9;
	s16 =	sand.u32 $0x70, s16;
	[sflag:s10] =	ssyncset.done $0x0  }
0x12: {  	s18 =	sand.u32 $0x7FE00000, s7;
	s16 =	sor.u32 s16, s17;
	[sflag:s10] =	ssyncadd.s32 $0xFFFFFC00  }
0x13: {  	[tilespmem:s11], [sflag:$0x1] =	stream.indirect.gather [hbm4b:s3+s11], $0x10, s2, s11, $0xb8;
	[tilespmem:$0x4400] =	vst v63  }
0x14: {  	s16 =	sor.u32 s18, s16;
	_ =	swait.ge [sflag:s12], $0x4000  }
0x15: {  	s19 =	smov.u32 s7;
	s16 =	sshrl.u32 s16, $0x3;
	[sflag:s12] =	ssyncset.done $0x0  }
0x16: {  	s17 =	sadd.s32 $0x20000, s9;
	s16 =	sadd.s32 s4, s16;
	[sflag:s12] =	ssyncadd.s32 $0xFFFFC000  }
0x17: {  	[hbm4b:s16+s13] =	stream.strided.scatter [tilespmem:s11], [sflag:$0x2], $0x4000, s14, s13, $0x38;
	[tilespmem:$0x4400] =	vst v63  }
0x18: {  	s18 =	smov.u32 s6;
	s16 =	simm.s32 $0x1;
	_ =	swait.ge [sflag:s10], $0x4000  }
.LBB2_2:
0x19: {  	[sflag:s10] =	ssyncset.done $0x0  }
0x1a: {  	s18 =	sadd.s32 $0x80, s18;
	s19 =	sadd.s32 $0x4000, s19;
	s20 =	smov.u32 s16  }
0x1b: {  	p0 =	sne.s32 s16, $0xC;
	s16 =	sadd.s32 $0x1, s16;
	[sflag:s10] =	ssyncadd.s32 $0xFFFFC000  }
0x1c: {  	[tilespmem:s2], [sflag:$0x2] =	stream.linear.gather [hbm4b:s18+s2], $0x400, $0x38;
	[tilespmem:$0x4400] =	vst v63  }
0x1d: {  	s20 =	sadd.s32 s20, s8;
	_ =	swait.ge [sflag:s10], $0x400  }
0x1e: {  	s21 =	sand.u32 $0x1E0000, s17;
	s20 =	sand.u32 $0x70, s20;
	[sflag:s10] =	ssyncset.done $0x0  }
0x1f: {  	s22 =	sand.u32 $0x7FE00000, s19;
	s20 =	sor.u32 s20, s21;
	[sflag:s10] =	ssyncadd.s32 $0xFFFFFC00  }
0x20: {  	[tilespmem:s11], [sflag:$0x1] =	stream.indirect.gather [hbm4b:s3+s11], $0x10, s2, s11, $0xb8;
	[tilespmem:$0x4400] =	vst v63  }
.Ltmp0:
0x21: {  	s20 =	sor.u32 s22, s20;
	_ =	swait.ge [sflag:s12], $0x4000;
	(pc) =	sbr.rel @p0 .LBB2_2-.Ltmp0, $4  }
0x22: {  	s20 =	sshrl.u32 s20, $0x3;
	[sflag:s12] =	ssyncset.done $0x0  }
0x23: {  	s20 =	sadd.s32 s4, s20;
	[sflag:s12] =	ssyncadd.s32 $0xFFFFC000  }
0x24: {  	[hbm4b:s20+s13] =	stream.strided.scatter [tilespmem:s11], [sflag:$0x2], $0x4000, s14, s13, $0x38;
	[tilespmem:$0x4400] =	vst v63  }
0x25: {  	s17 =	sadd.s32 $0x20000, s17;
	_ =	swait.ge [sflag:s10], $0x4000  }
0x26: {  	s15 =	sadd.s32 $0x1, s15  }
0x27: {  	p0 =	sne.s32 s15, s5  }
.Ltmp1:
0x28: {  	_ = 	snop;
	(pc) =	sbr.rel @p0 .LBB2_1-.Ltmp1, $3  }
0x29: {  	_ =	sdelay $0x1  }
0x2a: {  	[sflag:s10] =	ssyncset.done $0x0  }
0x2b: {  	[sflag:s10] =	ssyncadd.s32 $0xFFFFC000  }
0x2c: {  	_ =	sfence.sel $0x180000  }
0x2d: {  	[bflag:$0x0] =	sbarrier.arrive $0xFFFF  }
0x2e: {  	p0 =	sne.s32 s0, $0x0;
	_ =	strace $0x9000004A  }
0x2f: {  	s0 =	sadd.s32 @!p0 $0x100000, s1;
	[bflag:$0x2] =	sbarrier.arrive $0xFFFF  }
0x30: {  	[sflag:s0] =	ssyncadd.tile.s32 @!p0 $0x1;
	_ =	shalt  }
.Lfunc_end2:
_tile_overlayer_lowered:
.L_overlay_start_2:
0x31: {  	(tag) =	ssettag $0x2  }
0x32: {  	s0 =	rddreg [dreg:$0x0];
	s2 =	stileid.u32  }
0x33: {  	s1 =	rddreg [dreg:$0x1];
	p0 =	sne.s32 s2, $0x0  }
0x34: {  	s3 =	rddreg [dreg:$0x2];
	[bflag:$0x3] =	sbarrier.arrive $0xFFFF;
	s2 =	simm.s32 @!p0 $0x1C02  }
0x35: {  	[timem:s3], [sflag:s2] =	dma.local @!p0 [hbm:s0], s1  }
0x36: {  	s0 =	simm.s32 @!p0 $0x2  }
0x37: {  	_ =	swait.ge @!p0 [sflag:s0], s1  }
0x38: {  	s1 =	ssub.s32 @!p0 $0x0, s1;
	[sflag:s0] =	ssyncset.done @!p0 $0x0  }
0x39: {  	[sflag:s0] =	ssyncadd.s32 @!p0 s1  }
0x3a: {  	[bflag:$0x3] =	sbarrier.arrive $0xFFFF  }
0x3b: {  	_ =	shalt  }

</sc_bundles>
